<compile_context>
chip_gen: v7x
topology: tpu7x:2x2x1
jax: 0.10.2.dev20260603
libtpu: 0.0.44.dev20260713+nightly
codegen_flags: <defaults>
</compile_context>

<pallas_src>
import functools

import jax
import jax.numpy as jnp
from jax import lax
from jax.experimental import pallas as pl
from jax.experimental.pallas import tpu as pltpu
from jax.experimental.pallas import tpu_sc as plsc

NUM_CODES = 8192
CODE_DIM = 256
N_TOKENS = 8192

TN = 256
TK = 2048
TP = 256


def _sq_body(x_ref, c_ref, xsq_ref, csq_ref):
    xt = x_ref[...]
    ct = c_ref[...]
    xsq_ref[...] = jnp.sum(xt * xt, axis=1, keepdims=True)
    csq_ref[...] = jnp.sum(ct * ct, axis=1)[None, :]


def _sq_call(flat_x, codebook):
    n = flat_x.shape[0]
    return pl.pallas_call(
        _sq_body,
        grid=(n // TP,),
        in_specs=[
            pl.BlockSpec((TP, CODE_DIM), lambda i: (i, 0)),
            pl.BlockSpec((TP, CODE_DIM), lambda i: (i, 0)),
        ],
        out_specs=[
            pl.BlockSpec((TP, 1), lambda i: (i, 0)),
            pl.BlockSpec((1, TP), lambda i: (0, i)),
        ],
        out_shape=[
            jax.ShapeDtypeStruct((n, 1), jnp.float32),
            jax.ShapeDtypeStruct((1, NUM_CODES), jnp.float32),
        ],
    )(flat_x, codebook)


def _argmin_body(x_ref, c_ref, xsq_ref, csq_ref, idx_ref):
    xt = x_ref[...]
    x_sq = xsq_ref[...]
    xs2 = xt * -2.0
    best_val = None
    best_idx = None
    for w in range(NUM_CODES // TK):
        ct = c_ref[w * TK:(w + 1) * TK, :]
        mm2 = lax.dot_general(xs2, ct, (((1,), (1,)), ((), ())),
                              preferred_element_type=jnp.float32)
        acc = jnp.full((TN, 128), jnp.inf, dtype=jnp.float32)
        chunk_of = jnp.zeros((TN, 128), dtype=jnp.int32)
        for c in range(TK // 128):
            lo, hi = w * TK + c * 128, w * TK + (c + 1) * 128
            d2c = (x_sq + csq_ref[:, lo:hi]) + mm2[:, c * 128:(c + 1) * 128]
            better = d2c < acc
            acc = jnp.minimum(acc, d2c)
            chunk_of = jnp.where(better, jnp.int32(c), chunk_of)
        tmin = jnp.min(acc, axis=1, keepdims=True)
        lane = lax.broadcasted_iota(jnp.int32, (TN, 128), 1)
        jidx = chunk_of * 128 + lane
        cand = jnp.where(acc == tmin, jidx, jnp.int32(2**30))
        tidx = jnp.min(cand, axis=1, keepdims=True) + w * TK
        dmin = jnp.sqrt(jnp.maximum(tmin, 0.0))
        dmin_bf = dmin.astype(jnp.bfloat16).astype(jnp.float32)
        if w == 0:
            best_val, best_idx = dmin_bf, tidx
        else:
            take = dmin < best_val
            best_val = jnp.where(take, dmin_bf, best_val)
            best_idx = jnp.where(take, tidx, best_idx)
    idx_ref[...] = best_idx


def _argmin_call(flat_x, codebook, xsq, csq):
    n, d = flat_x.shape
    return pl.pallas_call(
        _argmin_body,
        grid=(n // TN,),
        in_specs=[
            pl.BlockSpec((TN, d), lambda i: (i, 0)),
            pl.BlockSpec((NUM_CODES, d), lambda i: (0, 0)),
            pl.BlockSpec((TN, 1), lambda i: (i, 0)),
            pl.BlockSpec((1, NUM_CODES), lambda i: (0, 0)),
        ],
        out_specs=pl.BlockSpec((TN, 1), lambda i: (i, 0)),
        out_shape=jax.ShapeDtypeStruct((n, 1), jnp.int32),
    )(flat_x, codebook, xsq, csq)


_NW = 32
_BPW = N_TOKENS // _NW


@functools.cache
def _make_sc_gather():
    @functools.partial(
        pl.kernel,
        out_type=jax.ShapeDtypeStruct((N_TOKENS, CODE_DIM), jnp.float32),
        mesh=plsc.VectorSubcoreMesh(core_axis_name="c", subcore_axis_name="s"),
        scratch_types=[
            pltpu.VMEM((_BPW,), jnp.int32),
            pltpu.VMEM((_BPW, CODE_DIM), jnp.float32),
            pltpu.SemaphoreType.DMA,
        ],
    )
    def _sc_gather(table_hbm, idx_hbm, out_hbm, idx_v, rows_v, sem):
        wid = lax.axis_index("s") * 2 + lax.axis_index("c")
        base = wid * _BPW
        pltpu.sync_copy(idx_hbm.at[pl.ds(base, _BPW)], idx_v)
        pltpu.async_copy(table_hbm.at[idx_v], rows_v, sem).wait()
        pltpu.sync_copy(rows_v, out_hbm.at[pl.ds(base, _BPW)])

    return _sc_gather


def kernel(x, codebook):
    b, s, d = x.shape
    flat_x = x.reshape(-1, d)
    xsq, csq = _sq_call(flat_x, codebook)
    idx = _argmin_call(flat_x, codebook, xsq, csq).reshape(-1)
    quantized = _make_sc_gather()(codebook, idx).reshape(b, s, d)
    return quantized, idx.reshape(b, s)

# --- scband reference (transcript-rebuilt; emitter-appended) ---
"""Pipeline reference for scband-emaquantizer-8581344657618 (READ-ONLY COPY).

The authoritative reference and input builder live on the scoring server;
editing this copy changes nothing except your own understanding.
"""

import jax, jax.numpy as jnp
import numpy as np

NUM_CODES = 8192
CODE_DIM = 256

def setup_inputs(seed: int = 0) -> dict:
    key = jax.random.key(seed)
    k1, k2 = jax.random.split(key)
    x = jax.random.normal(k1, (8, 1024, CODE_DIM), dtype=jnp.float32)
    codebook = jax.random.normal(k2, (NUM_CODES, CODE_DIM), dtype=jnp.float32)
    return {"x": x, "codebook": codebook}

def reference(x, codebook):
    B, S, D = x.shape
    flat_x = x.reshape(-1, D)
    # torch.cdist equivalent: pairwise L2 distances
    x_sq = jnp.sum(flat_x * flat_x, axis=1, keepdims=True)           # [N, 1]
    c_sq = jnp.sum(codebook * codebook, axis=1)[None, :]              # [1, K]
    d2 = x_sq + c_sq - 2.0 * (flat_x @ codebook.T)                    # [N, K]
    distances = jnp.sqrt(jnp.maximum(d2, 0.0))
    indices = jnp.argmin(distances, axis=-1)                          # [N]
    quantized = jnp.take(codebook, indices, axis=0).reshape(B, S, codebook.shape[1])
    return (quantized, indices.reshape(B, S))

if __name__ == "__main__":
    import jax
    _d = setup_inputs()
    print(jax.jit(kernel)(*tuple(_d.values())))

</pallas_src>

<mosaic_0001>
#map = affine_map<(d0, d1) -> (0, 0)>
#map1 = affine_map<(d0, d1) -> (0)>
module attributes {stable_mosaic.version = 14 : i64} {
  func.func @_sc_gather(%arg0: i32, %arg1: i32, %arg2: memref<8192x256xf32, #tpu.memory_space<hbm>>, %arg3: memref<8192xi32, #tpu.memory_space<hbm>>, %arg4: memref<8192x256xf32, #tpu.memory_space<hbm>>, %arg5: memref<256xi32, #tpu.memory_space<vmem>>, %arg6: memref<256x256xf32, #tpu.memory_space<vmem>>, %arg7: memref<!tpu.dma_semaphore, #tpu.memory_space<semaphore_mem>>) attributes {dimension_semantics = [#tpu.dimension_semantics<core_parallel>, #tpu.dimension_semantics<subcore_parallel>], iteration_bounds = array<i64: 2, 16>, scalar_prefetch = 0 : i64, scratch_operands = 3 : i64, tpu.core_type = #tpu.core_type<sc_vector_subcore>, window_params = [{transform_indices = #map}, {transform_indices = #map1}, {transform_indices = #map}]} {
    %mul3A = arith.constant 2 : i32
    %mul3A_0 = arith.muli %arg1, %mul3A : i32
    %add3A = arith.addi %mul3A_0, %arg0 : i32
    %mul3A_1 = arith.constant 256 : i32
    %mul3A_2 = arith.muli %add3A, %mul3A_1 : i32
    "tpu.region"() ({
      %run_scoped3A = tpu.sem_alloc : memref<!tpu.dma_semaphore, #tpu.memory_space<semaphore_mem>>
      %dma_start3A_7 = tpu.memref_slice %arg3[%mul3A_2] : memref<8192xi32, #tpu.memory_space<hbm>> -> memref<256xi32, #tpu.memory_space<hbm>>
      %dma_start3A_8 = tpu.memref_slice %arg3[%mul3A_2] : memref<8192xi32, #tpu.memory_space<hbm>> -> memref<256xi32, #tpu.memory_space<hbm>>
      tpu.enqueue_dma source(%dma_start3A_8 : memref<256xi32, #tpu.memory_space<hbm>>) target(%arg5 : memref<256xi32, #tpu.memory_space<vmem>>) target_semaphore(%run_scoped3A : memref<!tpu.dma_semaphore, #tpu.memory_space<semaphore_mem>>)
      %dma_wait3A_9 = tpu.memref_slice %arg3[%mul3A_2] : memref<8192xi32, #tpu.memory_space<hbm>> -> memref<256xi32, #tpu.memory_space<hbm>>
      %dma_wait3A_10 = tpu.memref_slice %arg3[%mul3A_2] : memref<8192xi32, #tpu.memory_space<hbm>> -> memref<256xi32, #tpu.memory_space<hbm>>
      tpu.wait_dma2 semaphore(%run_scoped3A : memref<!tpu.dma_semaphore, #tpu.memory_space<semaphore_mem>>) src(%dma_wait3A_10 : memref<256xi32, #tpu.memory_space<hbm>>) dst(%arg5 : memref<256xi32, #tpu.memory_space<vmem>>)
      tpu.yield
    }) : () -> ()
    %dma_start3A = arith.constant 0 : i32
    %dma_start3A_3 = arith.constant 0 : i32
    %dma_start3A_4 = tpu.memref_slice %arg2[%dma_start3A, %dma_start3A_3] : memref<8192x256xf32, #tpu.memory_space<hbm>> -> memref<8192x256xf32, #tpu.memory_space<hbm>>
    tpu.enqueue_indirect_dma source(%dma_start3A_4 : memref<8192x256xf32, #tpu.memory_space<hbm>>) target(%arg6 : memref<256x256xf32, #tpu.memory_space<vmem>>) offsets(%arg5 : memref<256xi32, #tpu.memory_space<vmem>>) semaphore(%arg7 : memref<!tpu.dma_semaphore, #tpu.memory_space<semaphore_mem>>)
    %dma_wait3A = arith.constant 0 : i32
    %dma_wait3A_5 = arith.constant 0 : i32
    %dma_wait3A_6 = tpu.memref_slice %arg2[%dma_wait3A, %dma_wait3A_5] : memref<8192x256xf32, #tpu.memory_space<hbm>> -> memref<8192x256xf32, #tpu.memory_space<hbm>>
    tpu.wait_indirect_dma semaphore(%arg7 : memref<!tpu.dma_semaphore, #tpu.memory_space<semaphore_mem>>) src(%dma_wait3A_6 : memref<8192x256xf32, #tpu.memory_space<hbm>>) dst(%arg6 : memref<256x256xf32, #tpu.memory_space<vmem>>)
    "tpu.region"() ({
      %run_scoped3A = tpu.sem_alloc : memref<!tpu.dma_semaphore, #tpu.memory_space<semaphore_mem>>
      %dma_start3A_7 = arith.constant 0 : i32
      %dma_start3A_8 = tpu.memref_slice %arg4[%mul3A_2, %dma_start3A_7] : memref<8192x256xf32, #tpu.memory_space<hbm>> -> memref<256x256xf32, #tpu.memory_space<hbm>>
      %dma_start3A_9 = arith.constant 0 : i32
      %dma_start3A_10 = tpu.memref_slice %arg4[%mul3A_2, %dma_start3A_9] : memref<8192x256xf32, #tpu.memory_space<hbm>> -> memref<256x256xf32, #tpu.memory_space<hbm>>
      tpu.enqueue_dma source(%arg6 : memref<256x256xf32, #tpu.memory_space<vmem>>) target(%dma_start3A_10 : memref<256x256xf32, #tpu.memory_space<hbm>>) target_semaphore(%run_scoped3A : memref<!tpu.dma_semaphore, #tpu.memory_space<semaphore_mem>>)
      %dma_wait3A_11 = arith.constant 0 : i32
      %dma_wait3A_12 = tpu.memref_slice %arg4[%mul3A_2, %dma_wait3A_11] : memref<8192x256xf32, #tpu.memory_space<hbm>> -> memref<256x256xf32, #tpu.memory_space<hbm>>
      %dma_wait3A_13 = arith.constant 0 : i32
      %dma_wait3A_14 = tpu.memref_slice %arg4[%mul3A_2, %dma_wait3A_13] : memref<8192x256xf32, #tpu.memory_space<hbm>> -> memref<256x256xf32, #tpu.memory_space<hbm>>
      tpu.wait_dma2 semaphore(%run_scoped3A : memref<!tpu.dma_semaphore, #tpu.memory_space<semaphore_mem>>) src(%arg6 : memref<256x256xf32, #tpu.memory_space<vmem>>) dst(%dma_wait3A_14 : memref<256x256xf32, #tpu.memory_space<hbm>>)
      tpu.yield
    }) : () -> ()
    return
  }
}

module attributes {stable_mosaic.version = 14 : i64} {
  func.func @_sq_body(%arg0: i32, %arg1: memref<256x256xf32, #tpu.memory_space<vmem>>, %arg2: memref<256x256xf32, #tpu.memory_space<vmem>>, %arg3: memref<256x1xf32, #tpu.memory_space<vmem>>, %arg4: memref<1x256xf32, #tpu.memory_space<vmem>>) attributes {dimension_semantics = [#tpu.dimension_semantics<arbitrary>], iteration_bounds = array<i64: 32>, scalar_prefetch = 0 : i64, scratch_operands = 0 : i64, tpu.core_type = #tpu.core_type<tc>, window_params = [{transform_indices = @transform_0, window_bounds = array<i64: 256, 256>}, {transform_indices = @transform_1, window_bounds = array<i64: 256, 256>}, {transform_indices = @transform_2, window_bounds = array<i64: 256, 1>}, {transform_indices = @transform_3, window_bounds = array<i64: 1, 256>}]} {
    %get3A = arith.constant 0 : index
    %get3A_0 = arith.constant 0 : index
    %get3A_1 = vector.load %arg1[%get3A, %get3A_0] : memref<256x256xf32, #tpu.memory_space<vmem>>, vector<256x256xf32>
    %get3A_2 = arith.constant 0 : index
    %get3A_3 = arith.constant 0 : index
    %get3A_4 = vector.load %arg2[%get3A_2, %get3A_3] : memref<256x256xf32, #tpu.memory_space<vmem>>, vector<256x256xf32>
    %mul3A = arith.mulf %get3A_1, %get3A_1 : vector<256x256xf32>
    %reduce_sum3A = arith.constant dense<0.000000e+00> : vector<256xf32>
    %reduce_sum3A_5 = vector.multi_reduction <add>, %mul3A, %reduce_sum3A [1] : vector<256x256xf32> to vector<256xf32>
    %broadcast_in_dim3A = vector.shape_cast %reduce_sum3A_5 : vector<256xf32> to vector<256x1xf32>
    %swap3A = arith.constant 0 : index
    %swap3A_6 = arith.constant 0 : index
    %swap3A_7 = vector.load %arg3[%swap3A, %swap3A_6] : memref<256x1xf32, #tpu.memory_space<vmem>>, vector<256x1xf32>
    tpu.vector_store %arg3[%swap3A, %swap3A_6], %broadcast_in_dim3A {strides = array<i32>} : memref<256x1xf32, #tpu.memory_space<vmem>>, vector<256x1xf32>,
    %mul3A_8 = arith.mulf %get3A_4, %get3A_4 : vector<256x256xf32>
    %reduce_sum3A_9 = arith.constant dense<0.000000e+00> : vector<256xf32>
    %reduce_sum3A_10 = vector.multi_reduction <add>, %mul3A_8, %reduce_sum3A_9 [1] : vector<256x256xf32> to vector<256xf32>
    %broadcast_in_dim3A_11 = vector.shape_cast %reduce_sum3A_10 : vector<256xf32> to vector<1x256xf32>
    %swap3A_12 = arith.constant 0 : index
    %swap3A_13 = arith.constant 0 : index
    %swap3A_14 = vector.load %arg4[%swap3A_12, %swap3A_13] : memref<1x256xf32, #tpu.memory_space<vmem>>, vector<1x256xf32>
    tpu.vector_store %arg4[%swap3A_12, %swap3A_13], %broadcast_in_dim3A_11 {strides = array<i32>} : memref<1x256xf32, #tpu.memory_space<vmem>>, vector<1x256xf32>,
    return
  }
  func.func @transform_0(%arg0: i32) -> (i32, i32) {
    %c0_i32 = arith.constant 0 : i32
    %c0_i32_0 = arith.constant 0 : i32
    return %arg0, %c0_i32 : i32, i32
  }
  func.func @transform_1(%arg0: i32) -> (i32, i32) {
    %c0_i32 = arith.constant 0 : i32
    %c0_i32_0 = arith.constant 0 : i32
    return %arg0, %c0_i32 : i32, i32
  }
  func.func @transform_2(%arg0: i32) -> (i32, i32) {
    %c0_i32 = arith.constant 0 : i32
    %c0_i32_0 = arith.constant 0 : i32
    return %arg0, %c0_i32 : i32, i32
  }
  func.func @transform_3(%arg0: i32) -> (i32, i32) {
    %c0_i32 = arith.constant 0 : i32
    %c0_i32_0 = arith.constant 0 : i32
    return %c0_i32, %arg0 : i32, i32
  }
}

module attributes {stable_mosaic.version = 14 : i64} {
  func.func @_argmin_body(%arg0: i32, %arg1: memref<256x256xf32, #tpu.memory_space<vmem>>, %arg2: memref<8192x256xf32, #tpu.memory_space<vmem>>, %arg3: memref<256x1xf32, #tpu.memory_space<vmem>>, %arg4: memref<1x8192xf32, #tpu.memory_space<vmem>>, %arg5: memref<256x1xi32, #tpu.memory_space<vmem>>) attributes {dimension_semantics = [#tpu.dimension_semantics<arbitrary>], iteration_bounds = array<i64: 32>, scalar_prefetch = 0 : i64, scratch_operands = 0 : i64, tpu.core_type = #tpu.core_type<tc>, window_params = [{transform_indices = @transform_0, window_bounds = array<i64: 256, 256>}, {pipeline_mode = #tpu.pipeline_mode<synchronous>, transform_indices = @transform_1, window_bounds = array<i64: 8192, 256>}, {transform_indices = @transform_2, window_bounds = array<i64: 256, 1>}, {pipeline_mode = #tpu.pipeline_mode<synchronous>, transform_indices = @transform_3, window_bounds = array<i64: 1, 8192>}, {transform_indices = @transform_4, window_bounds = array<i64: 256, 1>}]} {
    %get3A = arith.constant 0 : index
    %get3A_0 = arith.constant 0 : index
    %get3A_1 = vector.load %arg1[%get3A, %get3A_0] : memref<256x256xf32, #tpu.memory_space<vmem>>, vector<256x256xf32>
    %get3A_2 = arith.constant 0 : index
    %get3A_3 = arith.constant 0 : index
    %get3A_4 = vector.load %arg3[%get3A_2, %get3A_3] : memref<256x1xf32, #tpu.memory_space<vmem>>, vector<256x1xf32>
    %mul3A = arith.constant -2.000000e+00 : f32
    %mul3A_5 = vector.broadcast %mul3A : f32 to vector<256x256xf32>
    %mul3A_6 = arith.mulf %get3A_1, %mul3A_5 : vector<256x256xf32>
    %get3A_7 = arith.constant 0 : index
    %get3A_8 = arith.constant 0 : index
    %get3A_9 = vector.load %arg2[%get3A_7, %get3A_8] : memref<8192x256xf32, #tpu.memory_space<vmem>>, vector<2048x256xf32>
    %dot_general3A = arith.constant dense<0.000000e+00> : vector<256x2048xf32>
    %dot_general3A_10 = tpu.matmul %mul3A_6, %get3A_9, %dot_general3A {dimension_numbers = #tpu.dot_dimension_numbers<[1], [1], [0], [0], [0, 0, 1, 0], [], []>, transpose_lhs_hint = false} : vector<256x256xf32>, vector<2048x256xf32>, vector<256x2048xf32> -> vector<256x2048xf32>
    %broadcast_in_dim3A = arith.constant 0x7F800000 : f32
    %broadcast_in_dim3A_11 = vector.broadcast %broadcast_in_dim3A : f32 to vector<256x128xf32>
    %broadcast_in_dim3A_12 = arith.constant 0 : i32
    %broadcast_in_dim3A_13 = vector.broadcast %broadcast_in_dim3A_12 : i32 to vector<256x128xi32>
    %get3A_14 = arith.constant 0 : index
    %get3A_15 = arith.constant 0 : index
    %get3A_16 = vector.load %arg4[%get3A_14, %get3A_15] : memref<1x8192xf32, #tpu.memory_space<vmem>>, vector<1x128xf32>
    %add3A = vector.broadcast %get3A_4 : vector<256x1xf32> to vector<256x128xf32>
    %add3A_17 = vector.broadcast %get3A_16 : vector<1x128xf32> to vector<256x128xf32>
    %add3A_18 = arith.addf %add3A, %add3A_17 : vector<256x128xf32>
    %slice3A = vector.extract_strided_slice %dot_general3A_10 {offsets = [0, 0], sizes = [256, 128], strides = [1, 1]} : vector<256x2048xf32> to vector<256x128xf32>
    %add3A_19 = arith.addf %add3A_18, %slice3A : vector<256x128xf32>
    %lt3A = arith.cmpf olt, %add3A_19, %broadcast_in_dim3A_11 : vector<256x128xf32>
    %min3A = arith.minimumf %broadcast_in_dim3A_11, %add3A_19 : vector<256x128xf32>
    %jit3A = arith.constant 0 : i32
    %broadcast_in_dim3A_20 = vector.broadcast %jit3A : i32 to vector<256x128xi32>
    %select_n3A = arith.select %lt3A, %broadcast_in_dim3A_20, %broadcast_in_dim3A_13 : vector<256x128xi1>, vector<256x128xi32>
    %get3A_21 = arith.constant 0 : index
    %get3A_22 = arith.constant 128 : index
    %get3A_23 = vector.load %arg4[%get3A_21, %get3A_22] : memref<1x8192xf32, #tpu.memory_space<vmem>>, vector<1x128xf32>
    %add3A_24 = vector.broadcast %get3A_4 : vector<256x1xf32> to vector<256x128xf32>
    %add3A_25 = vector.broadcast %get3A_23 : vector<1x128xf32> to vector<256x128xf32>
    %add3A_26 = arith.addf %add3A_24, %add3A_25 : vector<256x128xf32>
    %slice3A_27 = vector.extract_strided_slice %dot_general3A_10 {offsets = [0, 128], sizes = [256, 128], strides = [1, 1]} : vector<256x2048xf32> to vector<256x128xf32>
    %add3A_28 = arith.addf %add3A_26, %slice3A_27 : vector<256x128xf32>
    %lt3A_29 = arith.cmpf olt, %add3A_28, %min3A : vector<256x128xf32>
    %min3A_30 = arith.minimumf %min3A, %add3A_28 : vector<256x128xf32>
    %jit3A_31 = arith.constant 1 : i32
    %broadcast_in_dim3A_32 = vector.broadcast %jit3A_31 : i32 to vector<256x128xi32>
    %select_n3A_33 = arith.select %lt3A_29, %broadcast_in_dim3A_32, %select_n3A : vector<256x128xi1>, vector<256x128xi32>
    %get3A_34 = arith.constant 0 : index
    %get3A_35 = arith.constant 256 : index
    %get3A_36 = vector.load %arg4[%get3A_34, %get3A_35] : memref<1x8192xf32, #tpu.memory_space<vmem>>, vector<1x128xf32>
    %add3A_37 = vector.broadcast %get3A_4 : vector<256x1xf32> to vector<256x128xf32>
    %add3A_38 = vector.broadcast %get3A_36 : vector<1x128xf32> to vector<256x128xf32>
    %add3A_39 = arith.addf %add3A_37, %add3A_38 : vector<256x128xf32>
    %slice3A_40 = vector.extract_strided_slice %dot_general3A_10 {offsets = [0, 256], sizes = [256, 128], strides = [1, 1]} : vector<256x2048xf32> to vector<256x128xf32>
    %add3A_41 = arith.addf %add3A_39, %slice3A_40 : vector<256x128xf32>
    %lt3A_42 = arith.cmpf olt, %add3A_41, %min3A_30 : vector<256x128xf32>
    %min3A_43 = arith.minimumf %min3A_30, %add3A_41 : vector<256x128xf32>
    %jit3A_44 = arith.constant 2 : i32
    %broadcast_in_dim3A_45 = vector.broadcast %jit3A_44 : i32 to vector<256x128xi32>
    %select_n3A_46 = arith.select %lt3A_42, %broadcast_in_dim3A_45, %select_n3A_33 : vector<256x128xi1>, vector<256x128xi32>
    %get3A_47 = arith.constant 0 : index
    %get3A_48 = arith.constant 384 : index
    %get3A_49 = vector.load %arg4[%get3A_47, %get3A_48] : memref<1x8192xf32, #tpu.memory_space<vmem>>, vector<1x128xf32>
    %add3A_50 = vector.broadcast %get3A_4 : vector<256x1xf32> to vector<256x128xf32>
    %add3A_51 = vector.broadcast %get3A_49 : vector<1x128xf32> to vector<256x128xf32>
    %add3A_52 = arith.addf %add3A_50, %add3A_51 : vector<256x128xf32>
    %slice3A_53 = vector.extract_strided_slice %dot_general3A_10 {offsets = [0, 384], sizes = [256, 128], strides = [1, 1]} : vector<256x2048xf32> to vector<256x128xf32>
    %add3A_54 = arith.addf %add3A_52, %slice3A_53 : vector<256x128xf32>
    %lt3A_55 = arith.cmpf olt, %add3A_54, %min3A_43 : vector<256x128xf32>
    %min3A_56 = arith.minimumf %min3A_43, %add3A_54 : vector<256x128xf32>
    %jit3A_57 = arith.constant 3 : i32
    %broadcast_in_dim3A_58 = vector.broadcast %jit3A_57 : i32 to vector<256x128xi32>
    %select_n3A_59 = arith.select %lt3A_55, %broadcast_in_dim3A_58, %select_n3A_46 : vector<256x128xi1>, vector<256x128xi32>
    %get3A_60 = arith.constant 0 : index
    %get3A_61 = arith.constant 512 : index
    %get3A_62 = vector.load %arg4[%get3A_60, %get3A_61] : memref<1x8192xf32, #tpu.memory_space<vmem>>, vector<1x128xf32>
    %add3A_63 = vector.broadcast %get3A_4 : vector<256x1xf32> to vector<256x128xf32>
    %add3A_64 = vector.broadcast %get3A_62 : vector<1x128xf32> to vector<256x128xf32>
    %add3A_65 = arith.addf %add3A_63, %add3A_64 : vector<256x128xf32>
    %slice3A_66 = vector.extract_strided_slice %dot_general3A_10 {offsets = [0, 512], sizes = [256, 128], strides = [1, 1]} : vector<256x2048xf32> to vector<256x128xf32>
    %add3A_67 = arith.addf %add3A_65, %slice3A_66 : vector<256x128xf32>
    %lt3A_68 = arith.cmpf olt, %add3A_67, %min3A_56 : vector<256x128xf32>
    %min3A_69 = arith.minimumf %min3A_56, %add3A_67 : vector<256x128xf32>
    %jit3A_70 = arith.constant 4 : i32
    %broadcast_in_dim3A_71 = vector.broadcast %jit3A_70 : i32 to vector<256x128xi32>
    %select_n3A_72 = arith.select %lt3A_68, %broadcast_in_dim3A_71, %select_n3A_59 : vector<256x128xi1>, vector<256x128xi32>
    %get3A_73 = arith.constant 0 : index
    %get3A_74 = arith.constant 640 : index
    %get3A_75 = vector.load %arg4[%get3A_73, %get3A_74] : memref<1x8192xf32, #tpu.memory_space<vmem>>, vector<1x128xf32>
    %add3A_76 = vector.broadcast %get3A_4 : vector<256x1xf32> to vector<256x128xf32>
    %add3A_77 = vector.broadcast %get3A_75 : vector<1x128xf32> to vector<256x128xf32>
    %add3A_78 = arith.addf %add3A_76, %add3A_77 : vector<256x128xf32>
    %slice3A_79 = vector.extract_strided_slice %dot_general3A_10 {offsets = [0, 640], sizes = [256, 128], strides = [1, 1]} : vector<256x2048xf32> to vector<256x128xf32>
    %add3A_80 = arith.addf %add3A_78, %slice3A_79 : vector<256x128xf32>
    %lt3A_81 = arith.cmpf olt, %add3A_80, %min3A_69 : vector<256x128xf32>
    %min3A_82 = arith.minimumf %min3A_69, %add3A_80 : vector<256x128xf32>
    %jit3A_83 = arith.constant 5 : i32
    %broadcast_in_dim3A_84 = vector.broadcast %jit3A_83 : i32 to vector<256x128xi32>
    %select_n3A_85 = arith.select %lt3A_81, %broadcast_in_dim3A_84, %select_n3A_72 : vector<256x128xi1>, vector<256x128xi32>
    %get3A_86 = arith.constant 0 : index
    %get3A_87 = arith.constant 768 : index
    %get3A_88 = vector.load %arg4[%get3A_86, %get3A_87] : memref<1x8192xf32, #tpu.memory_space<vmem>>, vector<1x128xf32>
    %add3A_89 = vector.broadcast %get3A_4 : vector<256x1xf32> to vector<256x128xf32>
    %add3A_90 = vector.broadcast %get3A_88 : vector<1x128xf32> to vector<256x128xf32>
    %add3A_91 = arith.addf %add3A_89, %add3A_90 : vector<256x128xf32>
    %slice3A_92 = vector.extract_strided_slice %dot_general3A_10 {offsets = [0, 768], sizes = [256, 128], strides = [1, 1]} : vector<256x2048xf32> to vector<256x128xf32>
    %add3A_93 = arith.addf %add3A_91, %slice3A_92 : vector<256x128xf32>
    %lt3A_94 = arith.cmpf olt, %add3A_93, %min3A_82 : vector<256x128xf32>
    %min3A_95 = arith.minimumf %min3A_82, %add3A_93 : vector<256x128xf32>
    %jit3A_96 = arith.constant 6 : i32
    %broadcast_in_dim3A_97 = vector.broadcast %jit3A_96 : i32 to vector<256x128xi32>
    %select_n3A_98 = arith.select %lt3A_94, %broadcast_in_dim3A_97, %select_n3A_85 : vector<256x128xi1>, vector<256x128xi32>
    %get3A_99 = arith.constant 0 : index
    %get3A_100 = arith.constant 896 : index
    %get3A_101 = vector.load %arg4[%get3A_99, %get3A_100] : memref<1x8192xf32, #tpu.memory_space<vmem>>, vector<1x128xf32>
    %add3A_102 = vector.broadcast %get3A_4 : vector<256x1xf32> to vector<256x128xf32>
    %add3A_103 = vector.broadcast %get3A_101 : vector<1x128xf32> to vector<256x128xf32>
    %add3A_104 = arith.addf %add3A_102, %add3A_103 : vector<256x128xf32>
    %slice3A_105 = vector.extract_strided_slice %dot_general3A_10 {offsets = [0, 896], sizes = [256, 128], strides = [1, 1]} : vector<256x2048xf32> to vector<256x128xf32>
    %add3A_106 = arith.addf %add3A_104, %slice3A_105 : vector<256x128xf32>
    %lt3A_107 = arith.cmpf olt, %add3A_106, %min3A_95 : vector<256x128xf32>
    %min3A_108 = arith.minimumf %min3A_95, %add3A_106 : vector<256x128xf32>
    %jit3A_109 = arith.constant 7 : i32
    %broadcast_in_dim3A_110 = vector.broadcast %jit3A_109 : i32 to vector<256x128xi32>
    %select_n3A_111 = arith.select %lt3A_107, %broadcast_in_dim3A_110, %select_n3A_98 : vector<256x128xi1>, vector<256x128xi32>
    %get3A_112 = arith.constant 0 : index
    %get3A_113 = arith.constant 1024 : index
    %get3A_114 = vector.load %arg4[%get3A_112, %get3A_113] : memref<1x8192xf32, #tpu.memory_space<vmem>>, vector<1x128xf32>
    %add3A_115 = vector.broadcast %get3A_4 : vector<256x1xf32> to vector<256x128xf32>
    %add3A_116 = vector.broadcast %get3A_114 : vector<1x128xf32> to vector<256x128xf32>
    %add3A_117 = arith.addf %add3A_115, %add3A_116 : vector<256x128xf32>
    %slice3A_118 = vector.extract_strided_slice %dot_general3A_10 {offsets = [0, 1024], sizes = [256, 128], strides = [1, 1]} : vector<256x2048xf32> to vector<256x128xf32>
    %add3A_119 = arith.addf %add3A_117, %slice3A_118 : vector<256x128xf32>
    %lt3A_120 = arith.cmpf olt, %add3A_119, %min3A_108 : vector<256x128xf32>
    %min3A_121 = arith.minimumf %min3A_108, %add3A_119 : vector<256x128xf32>
    %jit3A_122 = arith.constant 8 : i32
    %broadcast_in_dim3A_123 = vector.broadcast %jit3A_122 : i32 to vector<256x128xi32>
    %select_n3A_124 = arith.select %lt3A_120, %broadcast_in_dim3A_123, %select_n3A_111 : vector<256x128xi1>, vector<256x128xi32>
    %get3A_125 = arith.constant 0 : index
    %get3A_126 = arith.constant 1152 : index
    %get3A_127 = vector.load %arg4[%get3A_125, %get3A_126] : memref<1x8192xf32, #tpu.memory_space<vmem>>, vector<1x128xf32>
    %add3A_128 = vector.broadcast %get3A_4 : vector<256x1xf32> to vector<256x128xf32>
    %add3A_129 = vector.broadcast %get3A_127 : vector<1x128xf32> to vector<256x128xf32>
    %add3A_130 = arith.addf %add3A_128, %add3A_129 : vector<256x128xf32>
    %slice3A_131 = vector.extract_strided_slice %dot_general3A_10 {offsets = [0, 1152], sizes = [256, 128], strides = [1, 1]} : vector<256x2048xf32> to vector<256x128xf32>
    %add3A_132 = arith.addf %add3A_130, %slice3A_131 : vector<256x128xf32>
    %lt3A_133 = arith.cmpf olt, %add3A_132, %min3A_121 : vector<256x128xf32>
    %min3A_134 = arith.minimumf %min3A_121, %add3A_132 : vector<256x128xf32>
    %jit3A_135 = arith.constant 9 : i32
    %broadcast_in_dim3A_136 = vector.broadcast %jit3A_135 : i32 to vector<256x128xi32>
    %select_n3A_137 = arith.select %lt3A_133, %broadcast_in_dim3A_136, %select_n3A_124 : vector<256x128xi1>, vector<256x128xi32>
    %get3A_138 = arith.constant 0 : index
    %get3A_139 = arith.constant 1280 : index
    %get3A_140 = vector.load %arg4[%get3A_138, %get3A_139] : memref<1x8192xf32, #tpu.memory_space<vmem>>, vector<1x128xf32>
    %add3A_141 = vector.broadcast %get3A_4 : vector<256x1xf32> to vector<256x128xf32>
    %add3A_142 = vector.broadcast %get3A_140 : vector<1x128xf32> to vector<256x128xf32>
    %add3A_143 = arith.addf %add3A_141, %add3A_142 : vector<256x128xf32>
    %slice3A_144 = vector.extract_strided_slice %dot_general3A_10 {offsets = [0, 1280], sizes = [256, 128], strides = [1, 1]} : vector<256x2048xf32> to vector<256x128xf32>
    %add3A_145 = arith.addf %add3A_143, %slice3A_144 : vector<256x128xf32>
    %lt3A_146 = arith.cmpf olt, %add3A_145, %min3A_134 : vector<256x128xf32>
    %min3A_147 = arith.minimumf %min3A_134, %add3A_145 : vector<256x128xf32>
    %jit3A_148 = arith.constant 10 : i32
    %broadcast_in_dim3A_149 = vector.broadcast %jit3A_148 : i32 to vector<256x128xi32>
    %select_n3A_150 = arith.select %lt3A_146, %broadcast_in_dim3A_149, %select_n3A_137 : vector<256x128xi1>, vector<256x128xi32>
    %get3A_151 = arith.constant 0 : index
    %get3A_152 = arith.constant 1408 : index
    %get3A_153 = vector.load %arg4[%get3A_151, %get3A_152] : memref<1x8192xf32, #tpu.memory_space<vmem>>, vector<1x128xf32>
    %add3A_154 = vector.broadcast %get3A_4 : vector<256x1xf32> to vector<256x128xf32>
    %add3A_155 = vector.broadcast %get3A_153 : vector<1x128xf32> to vector<256x128xf32>
    %add3A_156 = arith.addf %add3A_154, %add3A_155 : vector<256x128xf32>
    %slice3A_157 = vector.extract_strided_slice %dot_general3A_10 {offsets = [0, 1408], sizes = [256, 128], strides = [1, 1]} : vector<256x2048xf32> to vector<256x128xf32>
    %add3A_158 = arith.addf %add3A_156, %slice3A_157 : vector<256x128xf32>
    %lt3A_159 = arith.cmpf olt, %add3A_158, %min3A_147 : vector<256x128xf32>
    %min3A_160 = arith.minimumf %min3A_147, %add3A_158 : vector<256x128xf32>
    %jit3A_161 = arith.constant 11 : i32
    %broadcast_in_dim3A_162 = vector.broadcast %jit3A_161 : i32 to vector<256x128xi32>
    %select_n3A_163 = arith.select %lt3A_159, %broadcast_in_dim3A_162, %select_n3A_150 : vector<256x128xi1>, vector<256x128xi32>
    %get3A_164 = arith.constant 0 : index
    %get3A_165 = arith.constant 1536 : index
    %get3A_166 = vector.load %arg4[%get3A_164, %get3A_165] : memref<1x8192xf32, #tpu.memory_space<vmem>>, vector<1x128xf32>
    %add3A_167 = vector.broadcast %get3A_4 : vector<256x1xf32> to vector<256x128xf32>
    %add3A_168 = vector.broadcast %get3A_166 : vector<1x128xf32> to vector<256x128xf32>
    %add3A_169 = arith.addf %add3A_167, %add3A_168 : vector<256x128xf32>
    %slice3A_170 = vector.extract_strided_slice %dot_general3A_10 {offsets = [0, 1536], sizes = [256, 128], strides = [1, 1]} : vector<256x2048xf32> to vector<256x128xf32>
    %add3A_171 = arith.addf %add3A_169, %slice3A_170 : vector<256x128xf32>
    %lt3A_172 = arith.cmpf olt, %add3A_171, %min3A_160 : vector<256x128xf32>
    %min3A_173 = arith.minimumf %min3A_160, %add3A_171 : vector<256x128xf32>
    %jit3A_174 = arith.constant 12 : i32
    %broadcast_in_dim3A_175 = vector.broadcast %jit3A_174 : i32 to vector<256x128xi32>
    %select_n3A_176 = arith.select %lt3A_172, %broadcast_in_dim3A_175, %select_n3A_163 : vector<256x128xi1>, vector<256x128xi32>
    %get3A_177 = arith.constant 0 : index
    %get3A_178 = arith.constant 1664 : index
    %get3A_179 = vector.load %arg4[%get3A_177, %get3A_178] : memref<1x8192xf32, #tpu.memory_space<vmem>>, vector<1x128xf32>
    %add3A_180 = vector.broadcast %get3A_4 : vector<256x1xf32> to vector<256x128xf32>
    %add3A_181 = vector.broadcast %get3A_179 : vector<1x128xf32> to vector<256x128xf32>
    %add3A_182 = arith.addf %add3A_180, %add3A_181 : vector<256x128xf32>
    %slice3A_183 = vector.extract_strided_slice %dot_general3A_10 {offsets = [0, 1664], sizes = [256, 128], strides = [1, 1]} : vector<256x2048xf32> to vector<256x128xf32>
    %add3A_184 = arith.addf %add3A_182, %slice3A_183 : vector<256x128xf32>
    %lt3A_185 = arith.cmpf olt, %add3A_184, %min3A_173 : vector<256x128xf32>
    %min3A_186 = arith.minimumf %min3A_173, %add3A_184 : vector<256x128xf32>
    %jit3A_187 = arith.constant 13 : i32
    %broadcast_in_dim3A_188 = vector.broadcast %jit3A_187 : i32 to vector<256x128xi32>
    %select_n3A_189 = arith.select %lt3A_185, %broadcast_in_dim3A_188, %select_n3A_176 : vector<256x128xi1>, vector<256x128xi32>
    %get3A_190 = arith.constant 0 : index
    %get3A_191 = arith.constant 1792 : index
    %get3A_192 = vector.load %arg4[%get3A_190, %get3A_191] : memref<1x8192xf32, #tpu.memory_space<vmem>>, vector<1x128xf32>
    %add3A_193 = vector.broadcast %get3A_4 : vector<256x1xf32> to vector<256x128xf32>
    %add3A_194 = vector.broadcast %get3A_192 : vector<1x128xf32> to vector<256x128xf32>
    %add3A_195 = arith.addf %add3A_193, %add3A_194 : vector<256x128xf32>
    %slice3A_196 = vector.extract_strided_slice %dot_general3A_10 {offsets = [0, 1792], sizes = [256, 128], strides = [1, 1]} : vector<256x2048xf32> to vector<256x128xf32>
    %add3A_197 = arith.addf %add3A_195, %slice3A_196 : vector<256x128xf32>
    %lt3A_198 = arith.cmpf olt, %add3A_197, %min3A_186 : vector<256x128xf32>
    %min3A_199 = arith.minimumf %min3A_186, %add3A_197 : vector<256x128xf32>
    %jit3A_200 = arith.constant 14 : i32
    %broadcast_in_dim3A_201 = vector.broadcast %jit3A_200 : i32 to vector<256x128xi32>
    %select_n3A_202 = arith.select %lt3A_198, %broadcast_in_dim3A_201, %select_n3A_189 : vector<256x128xi1>, vector<256x128xi32>
    %get3A_203 = arith.constant 0 : index
    %get3A_204 = arith.constant 1920 : index
    %get3A_205 = vector.load %arg4[%get3A_203, %get3A_204] : memref<1x8192xf32, #tpu.memory_space<vmem>>, vector<1x128xf32>
    %add3A_206 = vector.broadcast %get3A_4 : vector<256x1xf32> to vector<256x128xf32>
    %add3A_207 = vector.broadcast %get3A_205 : vector<1x128xf32> to vector<256x128xf32>
    %add3A_208 = arith.addf %add3A_206, %add3A_207 : vector<256x128xf32>
    %slice3A_209 = vector.extract_strided_slice %dot_general3A_10 {offsets = [0, 1920], sizes = [256, 128], strides = [1, 1]} : vector<256x2048xf32> to vector<256x128xf32>
    %add3A_210 = arith.addf %add3A_208, %slice3A_209 : vector<256x128xf32>
    %lt3A_211 = arith.cmpf olt, %add3A_210, %min3A_199 : vector<256x128xf32>
    %min3A_212 = arith.minimumf %min3A_199, %add3A_210 : vector<256x128xf32>
    %jit3A_213 = arith.constant 15 : i32
    %broadcast_in_dim3A_214 = vector.broadcast %jit3A_213 : i32 to vector<256x128xi32>
    %select_n3A_215 = arith.select %lt3A_211, %broadcast_in_dim3A_214, %select_n3A_202 : vector<256x128xi1>, vector<256x128xi32>
    %reduce_min3A = arith.constant dense<0x7F800000> : vector<256xf32>
    %reduce_min3A_216 = vector.multi_reduction <minimumf>, %min3A_212, %reduce_min3A [1] : vector<256x128xf32> to vector<256xf32>
    %broadcast_in_dim3A_217 = vector.shape_cast %reduce_min3A_216 : vector<256xf32> to vector<256x1xf32>
    %iota3A = tpu.iota {dimensions = array<i32: 1>} : vector<256x128xi32>
    %mul3A_218 = arith.constant 128 : i32
    %mul3A_219 = vector.broadcast %mul3A_218 : i32 to vector<256x128xi32>
    %mul3A_220 = arith.muli %select_n3A_215, %mul3A_219 : vector<256x128xi32>
    %add3A_221 = arith.addi %mul3A_220, %iota3A : vector<256x128xi32>
    %eq3A = vector.broadcast %broadcast_in_dim3A_217 : vector<256x1xf32> to vector<256x128xf32>
    %eq3A_222 = arith.cmpf oeq, %min3A_212, %eq3A : vector<256x128xf32>
    %jit3A_223 = arith.constant 1073741824 : i32
    %broadcast_in_dim3A_224 = vector.broadcast %jit3A_223 : i32 to vector<256x128xi32>
    %select_n3A_225 = arith.select %eq3A_222, %add3A_221, %broadcast_in_dim3A_224 : vector<256x128xi1>, vector<256x128xi32>
    %reduce_min3A_226 = arith.constant dense<2147483647> : vector<256xi32>
    %reduce_min3A_227 = vector.multi_reduction <minsi>, %select_n3A_225, %reduce_min3A_226 [1] : vector<256x128xi32> to vector<256xi32>
    %broadcast_in_dim3A_228 = vector.shape_cast %reduce_min3A_227 : vector<256xi32> to vector<256x1xi32>
    %add3A_229 = arith.constant 0 : i32
    %add3A_230 = vector.broadcast %add3A_229 : i32 to vector<256x1xi32>
    %add3A_231 = arith.addi %broadcast_in_dim3A_228, %add3A_230 : vector<256x1xi32>
    %max3A = arith.constant 0.000000e+00 : f32
    %max3A_232 = vector.broadcast %max3A : f32 to vector<256x1xf32>
    %max3A_233 = arith.maximumf %broadcast_in_dim3A_217, %max3A_232 : vector<256x1xf32>
    %sqrt3A = math.sqrt %max3A_233 : vector<256x1xf32>
    %convert_element_type3A = arith.truncf %sqrt3A : vector<256x1xf32> to vector<256x1xbf16>
    %convert_element_type3A_234 = arith.extf %convert_element_type3A : vector<256x1xbf16> to vector<256x1xf32>
    %get3A_235 = arith.constant 2048 : index
    %get3A_236 = arith.constant 0 : index
    %get3A_237 = vector.load %arg2[%get3A_235, %get3A_236] : memref<8192x256xf32, #tpu.memory_space<vmem>>, vector<2048x256xf32>
    %dot_general3A_238 = arith.constant dense<0.000000e+00> : vector<256x2048xf32>
    %dot_general3A_239 = tpu.matmul %mul3A_6, %get3A_237, %dot_general3A_238 {dimension_numbers = #tpu.dot_dimension_numbers<[1], [1], [0], [0], [0, 0, 1, 0], [], []>, transpose_lhs_hint = false} : vector<256x256xf32>, vector<2048x256xf32>, vector<256x2048xf32> -> vector<256x2048xf32>
    %broadcast_in_dim3A_240 = arith.constant 0x7F800000 : f32
    %broadcast_in_dim3A_241 = vector.broadcast %broadcast_in_dim3A_240 : f32 to vector<256x128xf32>
    %broadcast_in_dim3A_242 = arith.constant 0 : i32
    %broadcast_in_dim3A_243 = vector.broadcast %broadcast_in_dim3A_242 : i32 to vector<256x128xi32>
    %get3A_244 = arith.constant 0 : index
    %get3A_245 = arith.constant 2048 : index
    %get3A_246 = vector.load %arg4[%get3A_244, %get3A_245] : memref<1x8192xf32, #tpu.memory_space<vmem>>, vector<1x128xf32>
    %add3A_247 = vector.broadcast %get3A_4 : vector<256x1xf32> to vector<256x128xf32>
    %add3A_248 = vector.broadcast %get3A_246 : vector<1x128xf32> to vector<256x128xf32>
    %add3A_249 = arith.addf %add3A_247, %add3A_248 : vector<256x128xf32>
    %slice3A_250 = vector.extract_strided_slice %dot_general3A_239 {offsets = [0, 0], sizes = [256, 128], strides = [1, 1]} : vector<256x2048xf32> to vector<256x128xf32>
    %add3A_251 = arith.addf %add3A_249, %slice3A_250 : vector<256x128xf32>
    %lt3A_252 = arith.cmpf olt, %add3A_251, %broadcast_in_dim3A_241 : vector<256x128xf32>
    %min3A_253 = arith.minimumf %broadcast_in_dim3A_241, %add3A_251 : vector<256x128xf32>
    %jit3A_254 = arith.constant 0 : i32
    %broadcast_in_dim3A_255 = vector.broadcast %jit3A_254 : i32 to vector<256x128xi32>
    %select_n3A_256 = arith.select %lt3A_252, %broadcast_in_dim3A_255, %broadcast_in_dim3A_243 : vector<256x128xi1>, vector<256x128xi32>
    %get3A_257 = arith.constant 0 : index
    %get3A_258 = arith.constant 2176 : index
    %get3A_259 = vector.load %arg4[%get3A_257, %get3A_258] : memref<1x8192xf32, #tpu.memory_space<vmem>>, vector<1x128xf32>
    %add3A_260 = vector.broadcast %get3A_4 : vector<256x1xf32> to vector<256x128xf32>
    %add3A_261 = vector.broadcast %get3A_259 : vector<1x128xf32> to vector<256x128xf32>
    %add3A_262 = arith.addf %add3A_260, %add3A_261 : vector<256x128xf32>
    %slice3A_263 = vector.extract_strided_slice %dot_general3A_239 {offsets = [0, 128], sizes = [256, 128], strides = [1, 1]} : vector<256x2048xf32> to vector<256x128xf32>
    %add3A_264 = arith.addf %add3A_262, %slice3A_263 : vector<256x128xf32>
    %lt3A_265 = arith.cmpf olt, %add3A_264, %min3A_253 : vector<256x128xf32>
    %min3A_266 = arith.minimumf %min3A_253, %add3A_264 : vector<256x128xf32>
    %jit3A_267 = arith.constant 1 : i32
    %broadcast_in_dim3A_268 = vector.broadcast %jit3A_267 : i32 to vector<256x128xi32>
    %select_n3A_269 = arith.select %lt3A_265, %broadcast_in_dim3A_268, %select_n3A_256 : vector<256x128xi1>, vector<256x128xi32>
    %get3A_270 = arith.constant 0 : index
    %get3A_271 = arith.constant 2304 : index
    %get3A_272 = vector.load %arg4[%get3A_270, %get3A_271] : memref<1x8192xf32, #tpu.memory_space<vmem>>, vector<1x128xf32>
    %add3A_273 = vector.broadcast %get3A_4 : vector<256x1xf32> to vector<256x128xf32>
    %add3A_274 = vector.broadcast %get3A_272 : vector<1x128xf32> to vector<256x128xf32>
    %add3A_275 = arith.addf %add3A_273, %add3A_274 : vector<256x128xf32>
    %slice3A_276 = vector.extract_strided_slice %dot_general3A_239 {offsets = [0, 256], sizes = [256, 128], strides = [1, 1]} : vector<256x2048xf32> to vector<256x128xf32>
    %add3A_277 = arith.addf %add3A_275, %slice3A_276 : vector<256x128xf32>
    %lt3A_278 = arith.cmpf olt, %add3A_277, %min3A_266 : vector<256x128xf32>
    %min3A_279 = arith.minimumf %min3A_266, %add3A_277 : vector<256x128xf32>
    %jit3A_280 = arith.constant 2 : i32
    %broadcast_in_dim3A_281 = vector.broadcast %jit3A_280 : i32 to vector<256x128xi32>
    %select_n3A_282 = arith.select %lt3A_278, %broadcast_in_dim3A_281, %select_n3A_269 : vector<256x128xi1>, vector<256x128xi32>
    %get3A_283 = arith.constant 0 : index
    %get3A_284 = arith.constant 2432 : index
    %get3A_285 = vector.load %arg4[%get3A_283, %get3A_284] : memref<1x8192xf32, #tpu.memory_space<vmem>>, vector<1x128xf32>
    %add3A_286 = vector.broadcast %get3A_4 : vector<256x1xf32> to vector<256x128xf32>
    %add3A_287 = vector.broadcast %get3A_285 : vector<1x128xf32> to vector<256x128xf32>
    %add3A_288 = arith.addf %add3A_286, %add3A_287 : vector<256x128xf32>
    %slice3A_289 = vector.extract_strided_slice %dot_general3A_239 {offsets = [0, 384], sizes = [256, 128], strides = [1, 1]} : vector<256x2048xf32> to vector<256x128xf32>
    %add3A_290 = arith.addf %add3A_288, %slice3A_289 : vector<256x128xf32>
    %lt3A_291 = arith.cmpf olt, %add3A_290, %min3A_279 : vector<256x128xf32>
    %min3A_292 = arith.minimumf %min3A_279, %add3A_290 : vector<256x128xf32>
    %jit3A_293 = arith.constant 3 : i32
    %broadcast_in_dim3A_294 = vector.broadcast %jit3A_293 : i32 to vector<256x128xi32>
    %select_n3A_295 = arith.select %lt3A_291, %broadcast_in_dim3A_294, %select_n3A_282 : vector<256x128xi1>, vector<256x128xi32>
    %get3A_296 = arith.constant 0 : index
    %get3A_297 = arith.constant 2560 : index
    %get3A_298 = vector.load %arg4[%get3A_296, %get3A_297] : memref<1x8192xf32, #tpu.memory_space<vmem>>, vector<1x128xf32>
    %add3A_299 = vector.broadcast %get3A_4 : vector<256x1xf32> to vector<256x128xf32>
    %add3A_300 = vector.broadcast %get3A_298 : vector<1x128xf32> to vector<256x128xf32>
    %add3A_301 = arith.addf %add3A_299, %add3A_300 : vector<256x128xf32>
    %slice3A_302 = vector.extract_strided_slice %dot_general3A_239 {offsets = [0, 512], sizes = [256, 128], strides = [1, 1]} : vector<256x2048xf32> to vector<256x128xf32>
    %add3A_303 = arith.addf %add3A_301, %slice3A_302 : vector<256x128xf32>
    %lt3A_304 = arith.cmpf olt, %add3A_303, %min3A_292 : vector<256x128xf32>
    %min3A_305 = arith.minimumf %min3A_292, %add3A_303 : vector<256x128xf32>
    %jit3A_306 = arith.constant 4 : i32
    %broadcast_in_dim3A_307 = vector.broadcast %jit3A_306 : i32 to vector<256x128xi32>
    %select_n3A_308 = arith.select %lt3A_304, %broadcast_in_dim3A_307, %select_n3A_295 : vector<256x128xi1>, vector<256x128xi32>
    %get3A_309 = arith.constant 0 : index
    %get3A_310 = arith.constant 2688 : index
    %get3A_311 = vector.load %arg4[%get3A_309, %get3A_310] : memref<1x8192xf32, #tpu.memory_space<vmem>>, vector<1x128xf32>
    %add3A_312 = vector.broadcast %get3A_4 : vector<256x1xf32> to vector<256x128xf32>
    %add3A_313 = vector.broadcast %get3A_311 : vector<1x128xf32> to vector<256x128xf32>
    %add3A_314 = arith.addf %add3A_312, %add3A_313 : vector<256x128xf32>
    %slice3A_315 = vector.extract_strided_slice %dot_general3A_239 {offsets = [0, 640], sizes = [256, 128], strides = [1, 1]} : vector<256x2048xf32> to vector<256x128xf32>
    %add3A_316 = arith.addf %add3A_314, %slice3A_315 : vector<256x128xf32>
    %lt3A_317 = arith.cmpf olt, %add3A_316, %min3A_305 : vector<256x128xf32>
    %min3A_318 = arith.minimumf %min3A_305, %add3A_316 : vector<256x128xf32>
    %jit3A_319 = arith.constant 5 : i32
    %broadcast_in_dim3A_320 = vector.broadcast %jit3A_319 : i32 to vector<256x128xi32>
    %select_n3A_321 = arith.select %lt3A_317, %broadcast_in_dim3A_320, %select_n3A_308 : vector<256x128xi1>, vector<256x128xi32>
    %get3A_322 = arith.constant 0 : index
    %get3A_323 = arith.constant 2816 : index
    %get3A_324 = vector.load %arg4[%get3A_322, %get3A_323] : memref<1x8192xf32, #tpu.memory_space<vmem>>, vector<1x128xf32>
    %add3A_325 = vector.broadcast %get3A_4 : vector<256x1xf32> to vector<256x128xf32>
    %add3A_326 = vector.broadcast %get3A_324 : vector<1x128xf32> to vector<256x128xf32>
    %add3A_327 = arith.addf %add3A_325, %add3A_326 : vector<256x128xf32>
    %slice3A_328 = vector.extract_strided_slice %dot_general3A_239 {offsets = [0, 768], sizes = [256, 128], strides = [1, 1]} : vector<256x2048xf32> to vector<256x128xf32>
    %add3A_329 = arith.addf %add3A_327, %slice3A_328 : vector<256x128xf32>
    %lt3A_330 = arith.cmpf olt, %add3A_329, %min3A_318 : vector<256x128xf32>
    %min3A_331 = arith.minimumf %min3A_318, %add3A_329 : vector<256x128xf32>
    %jit3A_332 = arith.constant 6 : i32
    %broadcast_in_dim3A_333 = vector.broadcast %jit3A_332 : i32 to vector<256x128xi32>
    %select_n3A_334 = arith.select %lt3A_330, %broadcast_in_dim3A_333, %select_n3A_321 : vector<256x128xi1>, vector<256x128xi32>
    %get3A_335 = arith.constant 0 : index
    %get3A_336 = arith.constant 2944 : index
    %get3A_337 = vector.load %arg4[%get3A_335, %get3A_336] : memref<1x8192xf32, #tpu.memory_space<vmem>>, vector<1x128xf32>
    %add3A_338 = vector.broadcast %get3A_4 : vector<256x1xf32> to vector<256x128xf32>
    %add3A_339 = vector.broadcast %get3A_337 : vector<1x128xf32> to vector<256x128xf32>
    %add3A_340 = arith.addf %add3A_338, %add3A_339 : vector<256x128xf32>
    %slice3A_341 = vector.extract_strided_slice %dot_general3A_239 {offsets = [0, 896], sizes = [256, 128], strides = [1, 1]} : vector<256x2048xf32> to vector<256x128xf32>
    %add3A_342 = arith.addf %add3A_340, %slice3A_341 : vector<256x128xf32>
    %lt3A_343 = arith.cmpf olt, %add3A_342, %min3A_331 : vector<256x128xf32>
    %min3A_344 = arith.minimumf %min3A_331, %add3A_342 : vector<256x128xf32>
    %jit3A_345 = arith.constant 7 : i32
    %broadcast_in_dim3A_346 = vector.broadcast %jit3A_345 : i32 to vector<256x128xi32>
    %select_n3A_347 = arith.select %lt3A_343, %broadcast_in_dim3A_346, %select_n3A_334 : vector<256x128xi1>, vector<256x128xi32>
    %get3A_348 = arith.constant 0 : index
    %get3A_349 = arith.constant 3072 : index
    %get3A_350 = vector.load %arg4[%get3A_348, %get3A_349] : memref<1x8192xf32, #tpu.memory_space<vmem>>, vector<1x128xf32>
    %add3A_351 = vector.broadcast %get3A_4 : vector<256x1xf32> to vector<256x128xf32>
    %add3A_352 = vector.broadcast %get3A_350 : vector<1x128xf32> to vector<256x128xf32>
    %add3A_353 = arith.addf %add3A_351, %add3A_352 : vector<256x128xf32>
    %slice3A_354 = vector.extract_strided_slice %dot_general3A_239 {offsets = [0, 1024], sizes = [256, 128], strides = [1, 1]} : vector<256x2048xf32> to vector<256x128xf32>
    %add3A_355 = arith.addf %add3A_353, %slice3A_354 : vector<256x128xf32>
    %lt3A_356 = arith.cmpf olt, %add3A_355, %min3A_344 : vector<256x128xf32>
    %min3A_357 = arith.minimumf %min3A_344, %add3A_355 : vector<256x128xf32>
    %jit3A_358 = arith.constant 8 : i32
    %broadcast_in_dim3A_359 = vector.broadcast %jit3A_358 : i32 to vector<256x128xi32>
    %select_n3A_360 = arith.select %lt3A_356, %broadcast_in_dim3A_359, %select_n3A_347 : vector<256x128xi1>, vector<256x128xi32>
    %get3A_361 = arith.constant 0 : index
    %get3A_362 = arith.constant 3200 : index
    %get3A_363 = vector.load %arg4[%get3A_361, %get3A_362] : memref<1x8192xf32, #tpu.memory_space<vmem>>, vector<1x128xf32>
    %add3A_364 = vector.broadcast %get3A_4 : vector<256x1xf32> to vector<256x128xf32>
    %add3A_365 = vector.broadcast %get3A_363 : vector<1x128xf32> to vector<256x128xf32>
    %add3A_366 = arith.addf %add3A_364, %add3A_365 : vector<256x128xf32>
    %slice3A_367 = vector.extract_strided_slice %dot_general3A_239 {offsets = [0, 1152], sizes = [256, 128], strides = [1, 1]} : vector<256x2048xf32> to vector<256x128xf32>
    %add3A_368 = arith.addf %add3A_366, %slice3A_367 : vector<256x128xf32>
    %lt3A_369 = arith.cmpf olt, %add3A_368, %min3A_357 : vector<256x128xf32>
    %min3A_370 = arith.minimumf %min3A_357, %add3A_368 : vector<256x128xf32>
    %jit3A_371 = arith.constant 9 : i32
    %broadcast_in_dim3A_372 = vector.broadcast %jit3A_371 : i32 to vector<256x128xi32>
    %select_n3A_373 = arith.select %lt3A_369, %broadcast_in_dim3A_372, %select_n3A_360 : vector<256x128xi1>, vector<256x128xi32>
    %get3A_374 = arith.constant 0 : index
    %get3A_375 = arith.constant 3328 : index
    %get3A_376 = vector.load %arg4[%get3A_374, %get3A_375] : memref<1x8192xf32, #tpu.memory_space<vmem>>, vector<1x128xf32>
    %add3A_377 = vector.broadcast %get3A_4 : vector<256x1xf32> to vector<256x128xf32>
    %add3A_378 = vector.broadcast %get3A_376 : vector<1x128xf32> to vector<256x128xf32>
    %add3A_379 = arith.addf %add3A_377, %add3A_378 : vector<256x128xf32>
    %slice3A_380 = vector.extract_strided_slice %dot_general3A_239 {offsets = [0, 1280], sizes = [256, 128], strides = [1, 1]} : vector<256x2048xf32> to vector<256x128xf32>
    %add3A_381 = arith.addf %add3A_379, %slice3A_380 : vector<256x128xf32>
    %lt3A_382 = arith.cmpf olt, %add3A_381, %min3A_370 : vector<256x128xf32>
    %min3A_383 = arith.minimumf %min3A_370, %add3A_381 : vector<256x128xf32>
    %jit3A_384 = arith.constant 10 : i32
    %broadcast_in_dim3A_385 = vector.broadcast %jit3A_384 : i32 to vector<256x128xi32>
    %select_n3A_386 = arith.select %lt3A_382, %broadcast_in_dim3A_385, %select_n3A_373 : vector<256x128xi1>, vector<256x128xi32>
    %get3A_387 = arith.constant 0 : index
    %get3A_388 = arith.constant 3456 : index
    %get3A_389 = vector.load %arg4[%get3A_387, %get3A_388] : memref<1x8192xf32, #tpu.memory_space<vmem>>, vector<1x128xf32>
    %add3A_390 = vector.broadcast %get3A_4 : vector<256x1xf32> to vector<256x128xf32>
    %add3A_391 = vector.broadcast %get3A_389 : vector<1x128xf32> to vector<256x128xf32>
    %add3A_392 = arith.addf %add3A_390, %add3A_391 : vector<256x128xf32>
    %slice3A_393 = vector.extract_strided_slice %dot_general3A_239 {offsets = [0, 1408], sizes = [256, 128], strides = [1, 1]} : vector<256x2048xf32> to vector<256x128xf32>
    %add3A_394 = arith.addf %add3A_392, %slice3A_393 : vector<256x128xf32>
    %lt3A_395 = arith.cmpf olt, %add3A_394, %min3A_383 : vector<256x128xf32>
    %min3A_396 = arith.minimumf %min3A_383, %add3A_394 : vector<256x128xf32>
    %jit3A_397 = arith.constant 11 : i32
    %broadcast_in_dim3A_398 = vector.broadcast %jit3A_397 : i32 to vector<256x128xi32>
    %select_n3A_399 = arith.select %lt3A_395, %broadcast_in_dim3A_398, %select_n3A_386 : vector<256x128xi1>, vector<256x128xi32>
    %get3A_400 = arith.constant 0 : index
    %get3A_401 = arith.constant 3584 : index
    %get3A_402 = vector.load %arg4[%get3A_400, %get3A_401] : memref<1x8192xf32, #tpu.memory_space<vmem>>, vector<1x128xf32>
    %add3A_403 = vector.broadcast %get3A_4 : vector<256x1xf32> to vector<256x128xf32>
    %add3A_404 = vector.broadcast %get3A_402 : vector<1x128xf32> to vector<256x128xf32>
    %add3A_405 = arith.addf %add3A_403, %add3A_404 : vector<256x128xf32>
    %slice3A_406 = vector.extract_strided_slice %dot_general3A_239 {offsets = [0, 1536], sizes = [256, 128], strides = [1, 1]} : vector<256x2048xf32> to vector<256x128xf32>
    %add3A_407 = arith.addf %add3A_405, %slice3A_406 : vector<256x128xf32>
    %lt3A_408 = arith.cmpf olt, %add3A_407, %min3A_396 : vector<256x128xf32>
    %min3A_409 = arith.minimumf %min3A_396, %add3A_407 : vector<256x128xf32>
    %jit3A_410 = arith.constant 12 : i32
    %broadcast_in_dim3A_411 = vector.broadcast %jit3A_410 : i32 to vector<256x128xi32>
    %select_n3A_412 = arith.select %lt3A_408, %broadcast_in_dim3A_411, %select_n3A_399 : vector<256x128xi1>, vector<256x128xi32>
    %get3A_413 = arith.constant 0 : index
    %get3A_414 = arith.constant 3712 : index
    %get3A_415 = vector.load %arg4[%get3A_413, %get3A_414] : memref<1x8192xf32, #tpu.memory_space<vmem>>, vector<1x128xf32>
    %add3A_416 = vector.broadcast %get3A_4 : vector<256x1xf32> to vector<256x128xf32>
    %add3A_417 = vector.broadcast %get3A_415 : vector<1x128xf32> to vector<256x128xf32>
    %add3A_418 = arith.addf %add3A_416, %add3A_417 : vector<256x128xf32>
    %slice3A_419 = vector.extract_strided_slice %dot_general3A_239 {offsets = [0, 1664], sizes = [256, 128], strides = [1, 1]} : vector<256x2048xf32> to vector<256x128xf32>
    %add3A_420 = arith.addf %add3A_418, %slice3A_419 : vector<256x128xf32>
    %lt3A_421 = arith.cmpf olt, %add3A_420, %min3A_409 : vector<256x128xf32>
    %min3A_422 = arith.minimumf %min3A_409, %add3A_420 : vector<256x128xf32>
    %jit3A_423 = arith.constant 13 : i32
    %broadcast_in_dim3A_424 = vector.broadcast %jit3A_423 : i32 to vector<256x128xi32>
    %select_n3A_425 = arith.select %lt3A_421, %broadcast_in_dim3A_424, %select_n3A_412 : vector<256x128xi1>, vector<256x128xi32>
    %get3A_426 = arith.constant 0 : index
    %get3A_427 = arith.constant 3840 : index
    %get3A_428 = vector.load %arg4[%get3A_426, %get3A_427] : memref<1x8192xf32, #tpu.memory_space<vmem>>, vector<1x128xf32>
    %add3A_429 = vector.broadcast %get3A_4 : vector<256x1xf32> to vector<256x128xf32>
    %add3A_430 = vector.broadcast %get3A_428 : vector<1x128xf32> to vector<256x128xf32>
    %add3A_431 = arith.addf %add3A_429, %add3A_430 : vector<256x128xf32>
    %slice3A_432 = vector.extract_strided_slice %dot_general3A_239 {offsets = [0, 1792], sizes = [256, 128], strides = [1, 1]} : vector<256x2048xf32> to vector<256x128xf32>
    %add3A_433 = arith.addf %add3A_431, %slice3A_432 : vector<256x128xf32>
    %lt3A_434 = arith.cmpf olt, %add3A_433, %min3A_422 : vector<256x128xf32>
    %min3A_435 = arith.minimumf %min3A_422, %add3A_433 : vector<256x128xf32>
    %jit3A_436 = arith.constant 14 : i32
    %broadcast_in_dim3A_437 = vector.broadcast %jit3A_436 : i32 to vector<256x128xi32>
    %select_n3A_438 = arith.select %lt3A_434, %broadcast_in_dim3A_437, %select_n3A_425 : vector<256x128xi1>, vector<256x128xi32>
    %get3A_439 = arith.constant 0 : index
    %get3A_440 = arith.constant 3968 : index
    %get3A_441 = vector.load %arg4[%get3A_439, %get3A_440] : memref<1x8192xf32, #tpu.memory_space<vmem>>, vector<1x128xf32>
    %add3A_442 = vector.broadcast %get3A_4 : vector<256x1xf32> to vector<256x128xf32>
    %add3A_443 = vector.broadcast %get3A_441 : vector<1x128xf32> to vector<256x128xf32>
    %add3A_444 = arith.addf %add3A_442, %add3A_443 : vector<256x128xf32>
    %slice3A_445 = vector.extract_strided_slice %dot_general3A_239 {offsets = [0, 1920], sizes = [256, 128], strides = [1, 1]} : vector<256x2048xf32> to vector<256x128xf32>
    %add3A_446 = arith.addf %add3A_444, %slice3A_445 : vector<256x128xf32>
    %lt3A_447 = arith.cmpf olt, %add3A_446, %min3A_435 : vector<256x128xf32>
    %min3A_448 = arith.minimumf %min3A_435, %add3A_446 : vector<256x128xf32>
    %jit3A_449 = arith.constant 15 : i32
    %broadcast_in_dim3A_450 = vector.broadcast %jit3A_449 : i32 to vector<256x128xi32>
    %select_n3A_451 = arith.select %lt3A_447, %broadcast_in_dim3A_450, %select_n3A_438 : vector<256x128xi1>, vector<256x128xi32>
    %reduce_min3A_452 = arith.constant dense<0x7F800000> : vector<256xf32>
    %reduce_min3A_453 = vector.multi_reduction <minimumf>, %min3A_448, %reduce_min3A_452 [1] : vector<256x128xf32> to vector<256xf32>
    %broadcast_in_dim3A_454 = vector.shape_cast %reduce_min3A_453 : vector<256xf32> to vector<256x1xf32>
    %iota3A_455 = tpu.iota {dimensions = array<i32: 1>} : vector<256x128xi32>
    %mul3A_456 = arith.constant 128 : i32
    %mul3A_457 = vector.broadcast %mul3A_456 : i32 to vector<256x128xi32>
    %mul3A_458 = arith.muli %select_n3A_451, %mul3A_457 : vector<256x128xi32>
    %add3A_459 = arith.addi %mul3A_458, %iota3A_455 : vector<256x128xi32>
    %eq3A_460 = vector.broadcast %broadcast_in_dim3A_454 : vector<256x1xf32> to vector<256x128xf32>
    %eq3A_461 = arith.cmpf oeq, %min3A_448, %eq3A_460 : vector<256x128xf32>
    %jit3A_462 = arith.constant 1073741824 : i32
    %broadcast_in_dim3A_463 = vector.broadcast %jit3A_462 : i32 to vector<256x128xi32>
    %select_n3A_464 = arith.select %eq3A_461, %add3A_459, %broadcast_in_dim3A_463 : vector<256x128xi1>, vector<256x128xi32>
    %reduce_min3A_465 = arith.constant dense<2147483647> : vector<256xi32>
    %reduce_min3A_466 = vector.multi_reduction <minsi>, %select_n3A_464, %reduce_min3A_465 [1] : vector<256x128xi32> to vector<256xi32>
    %broadcast_in_dim3A_467 = vector.shape_cast %reduce_min3A_466 : vector<256xi32> to vector<256x1xi32>
    %add3A_468 = arith.constant 2048 : i32
    %add3A_469 = vector.broadcast %add3A_468 : i32 to vector<256x1xi32>
    %add3A_470 = arith.addi %broadcast_in_dim3A_467, %add3A_469 : vector<256x1xi32>
    %max3A_471 = arith.constant 0.000000e+00 : f32
    %max3A_472 = vector.broadcast %max3A_471 : f32 to vector<256x1xf32>
    %max3A_473 = arith.maximumf %broadcast_in_dim3A_454, %max3A_472 : vector<256x1xf32>
    %sqrt3A_474 = math.sqrt %max3A_473 : vector<256x1xf32>
    %convert_element_type3A_475 = arith.truncf %sqrt3A_474 : vector<256x1xf32> to vector<256x1xbf16>
    %convert_element_type3A_476 = arith.extf %convert_element_type3A_475 : vector<256x1xbf16> to vector<256x1xf32>
    %lt3A_477 = arith.cmpf olt, %sqrt3A_474, %convert_element_type3A_234 : vector<256x1xf32>
    %select_n3A_478 = arith.select %lt3A_477, %convert_element_type3A_476, %convert_element_type3A_234 : vector<256x1xi1>, vector<256x1xf32>
    %select_n3A_479 = arith.select %lt3A_477, %add3A_470, %add3A_231 : vector<256x1xi1>, vector<256x1xi32>
    %get3A_480 = arith.constant 4096 : index
    %get3A_481 = arith.constant 0 : index
    %get3A_482 = vector.load %arg2[%get3A_480, %get3A_481] : memref<8192x256xf32, #tpu.memory_space<vmem>>, vector<2048x256xf32>
    %dot_general3A_483 = arith.constant dense<0.000000e+00> : vector<256x2048xf32>
    %dot_general3A_484 = tpu.matmul %mul3A_6, %get3A_482, %dot_general3A_483 {dimension_numbers = #tpu.dot_dimension_numbers<[1], [1], [0], [0], [0, 0, 1, 0], [], []>, transpose_lhs_hint = false} : vector<256x256xf32>, vector<2048x256xf32>, vector<256x2048xf32> -> vector<256x2048xf32>
    %broadcast_in_dim3A_485 = arith.constant 0x7F800000 : f32
    %broadcast_in_dim3A_486 = vector.broadcast %broadcast_in_dim3A_485 : f32 to vector<256x128xf32>
    %broadcast_in_dim3A_487 = arith.constant 0 : i32
    %broadcast_in_dim3A_488 = vector.broadcast %broadcast_in_dim3A_487 : i32 to vector<256x128xi32>
    %get3A_489 = arith.constant 0 : index
    %get3A_490 = arith.constant 4096 : index
    %get3A_491 = vector.load %arg4[%get3A_489, %get3A_490] : memref<1x8192xf32, #tpu.memory_space<vmem>>, vector<1x128xf32>
    %add3A_492 = vector.broadcast %get3A_4 : vector<256x1xf32> to vector<256x128xf32>
    %add3A_493 = vector.broadcast %get3A_491 : vector<1x128xf32> to vector<256x128xf32>
    %add3A_494 = arith.addf %add3A_492, %add3A_493 : vector<256x128xf32>
    %slice3A_495 = vector.extract_strided_slice %dot_general3A_484 {offsets = [0, 0], sizes = [256, 128], strides = [1, 1]} : vector<256x2048xf32> to vector<256x128xf32>
    %add3A_496 = arith.addf %add3A_494, %slice3A_495 : vector<256x128xf32>
    %lt3A_497 = arith.cmpf olt, %add3A_496, %broadcast_in_dim3A_486 : vector<256x128xf32>
    %min3A_498 = arith.minimumf %broadcast_in_dim3A_486, %add3A_496 : vector<256x128xf32>
    %jit3A_499 = arith.constant 0 : i32
    %broadcast_in_dim3A_500 = vector.broadcast %jit3A_499 : i32 to vector<256x128xi32>
    %select_n3A_501 = arith.select %lt3A_497, %broadcast_in_dim3A_500, %broadcast_in_dim3A_488 : vector<256x128xi1>, vector<256x128xi32>
    %get3A_502 = arith.constant 0 : index
    %get3A_503 = arith.constant 4224 : index
    %get3A_504 = vector.load %arg4[%get3A_502, %get3A_503] : memref<1x8192xf32, #tpu.memory_space<vmem>>, vector<1x128xf32>
    %add3A_505 = vector.broadcast %get3A_4 : vector<256x1xf32> to vector<256x128xf32>
    %add3A_506 = vector.broadcast %get3A_504 : vector<1x128xf32> to vector<256x128xf32>
    %add3A_507 = arith.addf %add3A_505, %add3A_506 : vector<256x128xf32>
    %slice3A_508 = vector.extract_strided_slice %dot_general3A_484 {offsets = [0, 128], sizes = [256, 128], strides = [1, 1]} : vector<256x2048xf32> to vector<256x128xf32>
    %add3A_509 = arith.addf %add3A_507, %slice3A_508 : vector<256x128xf32>
    %lt3A_510 = arith.cmpf olt, %add3A_509, %min3A_498 : vector<256x128xf32>
    %min3A_511 = arith.minimumf %min3A_498, %add3A_509 : vector<256x128xf32>
    %jit3A_512 = arith.constant 1 : i32
    %broadcast_in_dim3A_513 = vector.broadcast %jit3A_512 : i32 to vector<256x128xi32>
    %select_n3A_514 = arith.select %lt3A_510, %broadcast_in_dim3A_513, %select_n3A_501 : vector<256x128xi1>, vector<256x128xi32>
    %get3A_515 = arith.constant 0 : index
    %get3A_516 = arith.constant 4352 : index
    %get3A_517 = vector.load %arg4[%get3A_515, %get3A_516] : memref<1x8192xf32, #tpu.memory_space<vmem>>, vector<1x128xf32>
    %add3A_518 = vector.broadcast %get3A_4 : vector<256x1xf32> to vector<256x128xf32>
    %add3A_519 = vector.broadcast %get3A_517 : vector<1x128xf32> to vector<256x128xf32>
    %add3A_520 = arith.addf %add3A_518, %add3A_519 : vector<256x128xf32>
    %slice3A_521 = vector.extract_strided_slice %dot_general3A_484 {offsets = [0, 256], sizes = [256, 128], strides = [1, 1]} : vector<256x2048xf32> to vector<256x128xf32>
    %add3A_522 = arith.addf %add3A_520, %slice3A_521 : vector<256x128xf32>
    %lt3A_523 = arith.cmpf olt, %add3A_522, %min3A_511 : vector<256x128xf32>
    %min3A_524 = arith.minimumf %min3A_511, %add3A_522 : vector<256x128xf32>
    %jit3A_525 = arith.constant 2 : i32
    %broadcast_in_dim3A_526 = vector.broadcast %jit3A_525 : i32 to vector<256x128xi32>
    %select_n3A_527 = arith.select %lt3A_523, %broadcast_in_dim3A_526, %select_n3A_514 : vector<256x128xi1>, vector<256x128xi32>
    %get3A_528 = arith.constant 0 : index
    %get3A_529 = arith.constant 4480 : index
    %get3A_530 = vector.load %arg4[%get3A_528, %get3A_529] : memref<1x8192xf32, #tpu.memory_space<vmem>>, vector<1x128xf32>
    %add3A_531 = vector.broadcast %get3A_4 : vector<256x1xf32> to vector<256x128xf32>
    %add3A_532 = vector.broadcast %get3A_530 : vector<1x128xf32> to vector<256x128xf32>
    %add3A_533 = arith.addf %add3A_531, %add3A_532 : vector<256x128xf32>
    %slice3A_534 = vector.extract_strided_slice %dot_general3A_484 {offsets = [0, 384], sizes = [256, 128], strides = [1, 1]} : vector<256x2048xf32> to vector<256x128xf32>
    %add3A_535 = arith.addf %add3A_533, %slice3A_534 : vector<256x128xf32>
    %lt3A_536 = arith.cmpf olt, %add3A_535, %min3A_524 : vector<256x128xf32>
    %min3A_537 = arith.minimumf %min3A_524, %add3A_535 : vector<256x128xf32>
    %jit3A_538 = arith.constant 3 : i32
    %broadcast_in_dim3A_539 = vector.broadcast %jit3A_538 : i32 to vector<256x128xi32>
    %select_n3A_540 = arith.select %lt3A_536, %broadcast_in_dim3A_539, %select_n3A_527 : vector<256x128xi1>, vector<256x128xi32>
    %get3A_541 = arith.constant 0 : index
    %get3A_542 = arith.constant 4608 : index
    %get3A_543 = vector.load %arg4[%get3A_541, %get3A_542] : memref<1x8192xf32, #tpu.memory_space<vmem>>, vector<1x128xf32>
    %add3A_544 = vector.broadcast %get3A_4 : vector<256x1xf32> to vector<256x128xf32>
    %add3A_545 = vector.broadcast %get3A_543 : vector<1x128xf32> to vector<256x128xf32>
    %add3A_546 = arith.addf %add3A_544, %add3A_545 : vector<256x128xf32>
    %slice3A_547 = vector.extract_strided_slice %dot_general3A_484 {offsets = [0, 512], sizes = [256, 128], strides = [1, 1]} : vector<256x2048xf32> to vector<256x128xf32>
    %add3A_548 = arith.addf %add3A_546, %slice3A_547 : vector<256x128xf32>
    %lt3A_549 = arith.cmpf olt, %add3A_548, %min3A_537 : vector<256x128xf32>
    %min3A_550 = arith.minimumf %min3A_537, %add3A_548 : vector<256x128xf32>
    %jit3A_551 = arith.constant 4 : i32
    %broadcast_in_dim3A_552 = vector.broadcast %jit3A_551 : i32 to vector<256x128xi32>
    %select_n3A_553 = arith.select %lt3A_549, %broadcast_in_dim3A_552, %select_n3A_540 : vector<256x128xi1>, vector<256x128xi32>
    %get3A_554 = arith.constant 0 : index
    %get3A_555 = arith.constant 4736 : index
    %get3A_556 = vector.load %arg4[%get3A_554, %get3A_555] : memref<1x8192xf32, #tpu.memory_space<vmem>>, vector<1x128xf32>
    %add3A_557 = vector.broadcast %get3A_4 : vector<256x1xf32> to vector<256x128xf32>
    %add3A_558 = vector.broadcast %get3A_556 : vector<1x128xf32> to vector<256x128xf32>
    %add3A_559 = arith.addf %add3A_557, %add3A_558 : vector<256x128xf32>
    %slice3A_560 = vector.extract_strided_slice %dot_general3A_484 {offsets = [0, 640], sizes = [256, 128], strides = [1, 1]} : vector<256x2048xf32> to vector<256x128xf32>
    %add3A_561 = arith.addf %add3A_559, %slice3A_560 : vector<256x128xf32>
    %lt3A_562 = arith.cmpf olt, %add3A_561, %min3A_550 : vector<256x128xf32>
    %min3A_563 = arith.minimumf %min3A_550, %add3A_561 : vector<256x128xf32>
    %jit3A_564 = arith.constant 5 : i32
    %broadcast_in_dim3A_565 = vector.broadcast %jit3A_564 : i32 to vector<256x128xi32>
    %select_n3A_566 = arith.select %lt3A_562, %broadcast_in_dim3A_565, %select_n3A_553 : vector<256x128xi1>, vector<256x128xi32>
    %get3A_567 = arith.constant 0 : index
    %get3A_568 = arith.constant 4864 : index
    %get3A_569 = vector.load %arg4[%get3A_567, %get3A_568] : memref<1x8192xf32, #tpu.memory_space<vmem>>, vector<1x128xf32>
    %add3A_570 = vector.broadcast %get3A_4 : vector<256x1xf32> to vector<256x128xf32>
    %add3A_571 = vector.broadcast %get3A_569 : vector<1x128xf32> to vector<256x128xf32>
    %add3A_572 = arith.addf %add3A_570, %add3A_571 : vector<256x128xf32>
    %slice3A_573 = vector.extract_strided_slice %dot_general3A_484 {offsets = [0, 768], sizes = [256, 128], strides = [1, 1]} : vector<256x2048xf32> to vector<256x128xf32>
    %add3A_574 = arith.addf %add3A_572, %slice3A_573 : vector<256x128xf32>
    %lt3A_575 = arith.cmpf olt, %add3A_574, %min3A_563 : vector<256x128xf32>
    %min3A_576 = arith.minimumf %min3A_563, %add3A_574 : vector<256x128xf32>
    %jit3A_577 = arith.constant 6 : i32
    %broadcast_in_dim3A_578 = vector.broadcast %jit3A_577 : i32 to vector<256x128xi32>
    %select_n3A_579 = arith.select %lt3A_575, %broadcast_in_dim3A_578, %select_n3A_566 : vector<256x128xi1>, vector<256x128xi32>
    %get3A_580 = arith.constant 0 : index
    %get3A_581 = arith.constant 4992 : index
    %get3A_582 = vector.load %arg4[%get3A_580, %get3A_581] : memref<1x8192xf32, #tpu.memory_space<vmem>>, vector<1x128xf32>
    %add3A_583 = vector.broadcast %get3A_4 : vector<256x1xf32> to vector<256x128xf32>
    %add3A_584 = vector.broadcast %get3A_582 : vector<1x128xf32> to vector<256x128xf32>
    %add3A_585 = arith.addf %add3A_583, %add3A_584 : vector<256x128xf32>
    %slice3A_586 = vector.extract_strided_slice %dot_general3A_484 {offsets = [0, 896], sizes = [256, 128], strides = [1, 1]} : vector<256x2048xf32> to vector<256x128xf32>
    %add3A_587 = arith.addf %add3A_585, %slice3A_586 : vector<256x128xf32>
    %lt3A_588 = arith.cmpf olt, %add3A_587, %min3A_576 : vector<256x128xf32>
    %min3A_589 = arith.minimumf %min3A_576, %add3A_587 : vector<256x128xf32>
    %jit3A_590 = arith.constant 7 : i32
    %broadcast_in_dim3A_591 = vector.broadcast %jit3A_590 : i32 to vector<256x128xi32>
    %select_n3A_592 = arith.select %lt3A_588, %broadcast_in_dim3A_591, %select_n3A_579 : vector<256x128xi1>, vector<256x128xi32>
    %get3A_593 = arith.constant 0 : index
    %get3A_594 = arith.constant 5120 : index
    %get3A_595 = vector.load %arg4[%get3A_593, %get3A_594] : memref<1x8192xf32, #tpu.memory_space<vmem>>, vector<1x128xf32>
    %add3A_596 = vector.broadcast %get3A_4 : vector<256x1xf32> to vector<256x128xf32>
    %add3A_597 = vector.broadcast %get3A_595 : vector<1x128xf32> to vector<256x128xf32>
    %add3A_598 = arith.addf %add3A_596, %add3A_597 : vector<256x128xf32>
    %slice3A_599 = vector.extract_strided_slice %dot_general3A_484 {offsets = [0, 1024], sizes = [256, 128], strides = [1, 1]} : vector<256x2048xf32> to vector<256x128xf32>
    %add3A_600 = arith.addf %add3A_598, %slice3A_599 : vector<256x128xf32>
    %lt3A_601 = arith.cmpf olt, %add3A_600, %min3A_589 : vector<256x128xf32>
    %min3A_602 = arith.minimumf %min3A_589, %add3A_600 : vector<256x128xf32>
    %jit3A_603 = arith.constant 8 : i32
    %broadcast_in_dim3A_604 = vector.broadcast %jit3A_603 : i32 to vector<256x128xi32>
    %select_n3A_605 = arith.select %lt3A_601, %broadcast_in_dim3A_604, %select_n3A_592 : vector<256x128xi1>, vector<256x128xi32>
    %get3A_606 = arith.constant 0 : index
    %get3A_607 = arith.constant 5248 : index
    %get3A_608 = vector.load %arg4[%get3A_606, %get3A_607] : memref<1x8192xf32, #tpu.memory_space<vmem>>, vector<1x128xf32>
    %add3A_609 = vector.broadcast %get3A_4 : vector<256x1xf32> to vector<256x128xf32>
    %add3A_610 = vector.broadcast %get3A_608 : vector<1x128xf32> to vector<256x128xf32>
    %add3A_611 = arith.addf %add3A_609, %add3A_610 : vector<256x128xf32>
    %slice3A_612 = vector.extract_strided_slice %dot_general3A_484 {offsets = [0, 1152], sizes = [256, 128], strides = [1, 1]} : vector<256x2048xf32> to vector<256x128xf32>
    %add3A_613 = arith.addf %add3A_611, %slice3A_612 : vector<256x128xf32>
    %lt3A_614 = arith.cmpf olt, %add3A_613, %min3A_602 : vector<256x128xf32>
    %min3A_615 = arith.minimumf %min3A_602, %add3A_613 : vector<256x128xf32>
    %jit3A_616 = arith.constant 9 : i32
    %broadcast_in_dim3A_617 = vector.broadcast %jit3A_616 : i32 to vector<256x128xi32>
    %select_n3A_618 = arith.select %lt3A_614, %broadcast_in_dim3A_617, %select_n3A_605 : vector<256x128xi1>, vector<256x128xi32>
    %get3A_619 = arith.constant 0 : index
    %get3A_620 = arith.constant 5376 : index
    %get3A_621 = vector.load %arg4[%get3A_619, %get3A_620] : memref<1x8192xf32, #tpu.memory_space<vmem>>, vector<1x128xf32>
    %add3A_622 = vector.broadcast %get3A_4 : vector<256x1xf32> to vector<256x128xf32>
    %add3A_623 = vector.broadcast %get3A_621 : vector<1x128xf32> to vector<256x128xf32>
    %add3A_624 = arith.addf %add3A_622, %add3A_623 : vector<256x128xf32>
    %slice3A_625 = vector.extract_strided_slice %dot_general3A_484 {offsets = [0, 1280], sizes = [256, 128], strides = [1, 1]} : vector<256x2048xf32> to vector<256x128xf32>
    %add3A_626 = arith.addf %add3A_624, %slice3A_625 : vector<256x128xf32>
    %lt3A_627 = arith.cmpf olt, %add3A_626, %min3A_615 : vector<256x128xf32>
    %min3A_628 = arith.minimumf %min3A_615, %add3A_626 : vector<256x128xf32>
    %jit3A_629 = arith.constant 10 : i32
    %broadcast_in_dim3A_630 = vector.broadcast %jit3A_629 : i32 to vector<256x128xi32>
    %select_n3A_631 = arith.select %lt3A_627, %broadcast_in_dim3A_630, %select_n3A_618 : vector<256x128xi1>, vector<256x128xi32>
    %get3A_632 = arith.constant 0 : index
    %get3A_633 = arith.constant 5504 : index
    %get3A_634 = vector.load %arg4[%get3A_632, %get3A_633] : memref<1x8192xf32, #tpu.memory_space<vmem>>, vector<1x128xf32>
    %add3A_635 = vector.broadcast %get3A_4 : vector<256x1xf32> to vector<256x128xf32>
    %add3A_636 = vector.broadcast %get3A_634 : vector<1x128xf32> to vector<256x128xf32>
    %add3A_637 = arith.addf %add3A_635, %add3A_636 : vector<256x128xf32>
    %slice3A_638 = vector.extract_strided_slice %dot_general3A_484 {offsets = [0, 1408], sizes = [256, 128], strides = [1, 1]} : vector<256x2048xf32> to vector<256x128xf32>
    %add3A_639 = arith.addf %add3A_637, %slice3A_638 : vector<256x128xf32>
    %lt3A_640 = arith.cmpf olt, %add3A_639, %min3A_628 : vector<256x128xf32>
    %min3A_641 = arith.minimumf %min3A_628, %add3A_639 : vector<256x128xf32>
    %jit3A_642 = arith.constant 11 : i32
    %broadcast_in_dim3A_643 = vector.broadcast %jit3A_642 : i32 to vector<256x128xi32>
    %select_n3A_644 = arith.select %lt3A_640, %broadcast_in_dim3A_643, %select_n3A_631 : vector<256x128xi1>, vector<256x128xi32>
    %get3A_645 = arith.constant 0 : index
    %get3A_646 = arith.constant 5632 : index
    %get3A_647 = vector.load %arg4[%get3A_645, %get3A_646] : memref<1x8192xf32, #tpu.memory_space<vmem>>, vector<1x128xf32>
    %add3A_648 = vector.broadcast %get3A_4 : vector<256x1xf32> to vector<256x128xf32>
    %add3A_649 = vector.broadcast %get3A_647 : vector<1x128xf32> to vector<256x128xf32>
    %add3A_650 = arith.addf %add3A_648, %add3A_649 : vector<256x128xf32>
    %slice3A_651 = vector.extract_strided_slice %dot_general3A_484 {offsets = [0, 1536], sizes = [256, 128], strides = [1, 1]} : vector<256x2048xf32> to vector<256x128xf32>
    %add3A_652 = arith.addf %add3A_650, %slice3A_651 : vector<256x128xf32>
    %lt3A_653 = arith.cmpf olt, %add3A_652, %min3A_641 : vector<256x128xf32>
    %min3A_654 = arith.minimumf %min3A_641, %add3A_652 : vector<256x128xf32>
    %jit3A_655 = arith.constant 12 : i32
    %broadcast_in_dim3A_656 = vector.broadcast %jit3A_655 : i32 to vector<256x128xi32>
    %select_n3A_657 = arith.select %lt3A_653, %broadcast_in_dim3A_656, %select_n3A_644 : vector<256x128xi1>, vector<256x128xi32>
    %get3A_658 = arith.constant 0 : index
    %get3A_659 = arith.constant 5760 : index
    %get3A_660 = vector.load %arg4[%get3A_658, %get3A_659] : memref<1x8192xf32, #tpu.memory_space<vmem>>, vector<1x128xf32>
    %add3A_661 = vector.broadcast %get3A_4 : vector<256x1xf32> to vector<256x128xf32>
    %add3A_662 = vector.broadcast %get3A_660 : vector<1x128xf32> to vector<256x128xf32>
    %add3A_663 = arith.addf %add3A_661, %add3A_662 : vector<256x128xf32>
    %slice3A_664 = vector.extract_strided_slice %dot_general3A_484 {offsets = [0, 1664], sizes = [256, 128], strides = [1, 1]} : vector<256x2048xf32> to vector<256x128xf32>
    %add3A_665 = arith.addf %add3A_663, %slice3A_664 : vector<256x128xf32>
    %lt3A_666 = arith.cmpf olt, %add3A_665, %min3A_654 : vector<256x128xf32>
    %min3A_667 = arith.minimumf %min3A_654, %add3A_665 : vector<256x128xf32>
    %jit3A_668 = arith.constant 13 : i32
    %broadcast_in_dim3A_669 = vector.broadcast %jit3A_668 : i32 to vector<256x128xi32>
    %select_n3A_670 = arith.select %lt3A_666, %broadcast_in_dim3A_669, %select_n3A_657 : vector<256x128xi1>, vector<256x128xi32>
    %get3A_671 = arith.constant 0 : index
    %get3A_672 = arith.constant 5888 : index
    %get3A_673 = vector.load %arg4[%get3A_671, %get3A_672] : memref<1x8192xf32, #tpu.memory_space<vmem>>, vector<1x128xf32>
    %add3A_674 = vector.broadcast %get3A_4 : vector<256x1xf32> to vector<256x128xf32>
    %add3A_675 = vector.broadcast %get3A_673 : vector<1x128xf32> to vector<256x128xf32>
    %add3A_676 = arith.addf %add3A_674, %add3A_675 : vector<256x128xf32>
    %slice3A_677 = vector.extract_strided_slice %dot_general3A_484 {offsets = [0, 1792], sizes = [256, 128], strides = [1, 1]} : vector<256x2048xf32> to vector<256x128xf32>
    %add3A_678 = arith.addf %add3A_676, %slice3A_677 : vector<256x128xf32>
    %lt3A_679 = arith.cmpf olt, %add3A_678, %min3A_667 : vector<256x128xf32>
    %min3A_680 = arith.minimumf %min3A_667, %add3A_678 : vector<256x128xf32>
    %jit3A_681 = arith.constant 14 : i32
    %broadcast_in_dim3A_682 = vector.broadcast %jit3A_681 : i32 to vector<256x128xi32>
    %select_n3A_683 = arith.select %lt3A_679, %broadcast_in_dim3A_682, %select_n3A_670 : vector<256x128xi1>, vector<256x128xi32>
    %get3A_684 = arith.constant 0 : index
    %get3A_685 = arith.constant 6016 : index
    %get3A_686 = vector.load %arg4[%get3A_684, %get3A_685] : memref<1x8192xf32, #tpu.memory_space<vmem>>, vector<1x128xf32>
    %add3A_687 = vector.broadcast %get3A_4 : vector<256x1xf32> to vector<256x128xf32>
    %add3A_688 = vector.broadcast %get3A_686 : vector<1x128xf32> to vector<256x128xf32>
    %add3A_689 = arith.addf %add3A_687, %add3A_688 : vector<256x128xf32>
    %slice3A_690 = vector.extract_strided_slice %dot_general3A_484 {offsets = [0, 1920], sizes = [256, 128], strides = [1, 1]} : vector<256x2048xf32> to vector<256x128xf32>
    %add3A_691 = arith.addf %add3A_689, %slice3A_690 : vector<256x128xf32>
    %lt3A_692 = arith.cmpf olt, %add3A_691, %min3A_680 : vector<256x128xf32>
    %min3A_693 = arith.minimumf %min3A_680, %add3A_691 : vector<256x128xf32>
    %jit3A_694 = arith.constant 15 : i32
    %broadcast_in_dim3A_695 = vector.broadcast %jit3A_694 : i32 to vector<256x128xi32>
    %select_n3A_696 = arith.select %lt3A_692, %broadcast_in_dim3A_695, %select_n3A_683 : vector<256x128xi1>, vector<256x128xi32>
    %reduce_min3A_697 = arith.constant dense<0x7F800000> : vector<256xf32>
    %reduce_min3A_698 = vector.multi_reduction <minimumf>, %min3A_693, %reduce_min3A_697 [1] : vector<256x128xf32> to vector<256xf32>
    %broadcast_in_dim3A_699 = vector.shape_cast %reduce_min3A_698 : vector<256xf32> to vector<256x1xf32>
    %iota3A_700 = tpu.iota {dimensions = array<i32: 1>} : vector<256x128xi32>
    %mul3A_701 = arith.constant 128 : i32
    %mul3A_702 = vector.broadcast %mul3A_701 : i32 to vector<256x128xi32>
    %mul3A_703 = arith.muli %select_n3A_696, %mul3A_702 : vector<256x128xi32>
    %add3A_704 = arith.addi %mul3A_703, %iota3A_700 : vector<256x128xi32>
    %eq3A_705 = vector.broadcast %broadcast_in_dim3A_699 : vector<256x1xf32> to vector<256x128xf32>
    %eq3A_706 = arith.cmpf oeq, %min3A_693, %eq3A_705 : vector<256x128xf32>
    %jit3A_707 = arith.constant 1073741824 : i32
    %broadcast_in_dim3A_708 = vector.broadcast %jit3A_707 : i32 to vector<256x128xi32>
    %select_n3A_709 = arith.select %eq3A_706, %add3A_704, %broadcast_in_dim3A_708 : vector<256x128xi1>, vector<256x128xi32>
    %reduce_min3A_710 = arith.constant dense<2147483647> : vector<256xi32>
    %reduce_min3A_711 = vector.multi_reduction <minsi>, %select_n3A_709, %reduce_min3A_710 [1] : vector<256x128xi32> to vector<256xi32>
    %broadcast_in_dim3A_712 = vector.shape_cast %reduce_min3A_711 : vector<256xi32> to vector<256x1xi32>
    %add3A_713 = arith.constant 4096 : i32
    %add3A_714 = vector.broadcast %add3A_713 : i32 to vector<256x1xi32>
    %add3A_715 = arith.addi %broadcast_in_dim3A_712, %add3A_714 : vector<256x1xi32>
    %max3A_716 = arith.constant 0.000000e+00 : f32
    %max3A_717 = vector.broadcast %max3A_716 : f32 to vector<256x1xf32>
    %max3A_718 = arith.maximumf %broadcast_in_dim3A_699, %max3A_717 : vector<256x1xf32>
    %sqrt3A_719 = math.sqrt %max3A_718 : vector<256x1xf32>
    %convert_element_type3A_720 = arith.truncf %sqrt3A_719 : vector<256x1xf32> to vector<256x1xbf16>
    %convert_element_type3A_721 = arith.extf %convert_element_type3A_720 : vector<256x1xbf16> to vector<256x1xf32>
    %lt3A_722 = arith.cmpf olt, %sqrt3A_719, %select_n3A_478 : vector<256x1xf32>
    %select_n3A_723 = arith.select %lt3A_722, %convert_element_type3A_721, %select_n3A_478 : vector<256x1xi1>, vector<256x1xf32>
    %select_n3A_724 = arith.select %lt3A_722, %add3A_715, %select_n3A_479 : vector<256x1xi1>, vector<256x1xi32>
    %get3A_725 = arith.constant 6144 : index
    %get3A_726 = arith.constant 0 : index
    %get3A_727 = vector.load %arg2[%get3A_725, %get3A_726] : memref<8192x256xf32, #tpu.memory_space<vmem>>, vector<2048x256xf32>
    %dot_general3A_728 = arith.constant dense<0.000000e+00> : vector<256x2048xf32>
    %dot_general3A_729 = tpu.matmul %mul3A_6, %get3A_727, %dot_general3A_728 {dimension_numbers = #tpu.dot_dimension_numbers<[1], [1], [0], [0], [0, 0, 1, 0], [], []>, transpose_lhs_hint = false} : vector<256x256xf32>, vector<2048x256xf32>, vector<256x2048xf32> -> vector<256x2048xf32>
    %broadcast_in_dim3A_730 = arith.constant 0x7F800000 : f32
    %broadcast_in_dim3A_731 = vector.broadcast %broadcast_in_dim3A_730 : f32 to vector<256x128xf32>
    %broadcast_in_dim3A_732 = arith.constant 0 : i32
    %broadcast_in_dim3A_733 = vector.broadcast %broadcast_in_dim3A_732 : i32 to vector<256x128xi32>
    %get3A_734 = arith.constant 0 : index
    %get3A_735 = arith.constant 6144 : index
    %get3A_736 = vector.load %arg4[%get3A_734, %get3A_735] : memref<1x8192xf32, #tpu.memory_space<vmem>>, vector<1x128xf32>
    %add3A_737 = vector.broadcast %get3A_4 : vector<256x1xf32> to vector<256x128xf32>
    %add3A_738 = vector.broadcast %get3A_736 : vector<1x128xf32> to vector<256x128xf32>
    %add3A_739 = arith.addf %add3A_737, %add3A_738 : vector<256x128xf32>
    %slice3A_740 = vector.extract_strided_slice %dot_general3A_729 {offsets = [0, 0], sizes = [256, 128], strides = [1, 1]} : vector<256x2048xf32> to vector<256x128xf32>
    %add3A_741 = arith.addf %add3A_739, %slice3A_740 : vector<256x128xf32>
    %lt3A_742 = arith.cmpf olt, %add3A_741, %broadcast_in_dim3A_731 : vector<256x128xf32>
    %min3A_743 = arith.minimumf %broadcast_in_dim3A_731, %add3A_741 : vector<256x128xf32>
    %jit3A_744 = arith.constant 0 : i32
    %broadcast_in_dim3A_745 = vector.broadcast %jit3A_744 : i32 to vector<256x128xi32>
    %select_n3A_746 = arith.select %lt3A_742, %broadcast_in_dim3A_745, %broadcast_in_dim3A_733 : vector<256x128xi1>, vector<256x128xi32>
    %get3A_747 = arith.constant 0 : index
    %get3A_748 = arith.constant 6272 : index
    %get3A_749 = vector.load %arg4[%get3A_747, %get3A_748] : memref<1x8192xf32, #tpu.memory_space<vmem>>, vector<1x128xf32>
    %add3A_750 = vector.broadcast %get3A_4 : vector<256x1xf32> to vector<256x128xf32>
    %add3A_751 = vector.broadcast %get3A_749 : vector<1x128xf32> to vector<256x128xf32>
    %add3A_752 = arith.addf %add3A_750, %add3A_751 : vector<256x128xf32>
    %slice3A_753 = vector.extract_strided_slice %dot_general3A_729 {offsets = [0, 128], sizes = [256, 128], strides = [1, 1]} : vector<256x2048xf32> to vector<256x128xf32>
    %add3A_754 = arith.addf %add3A_752, %slice3A_753 : vector<256x128xf32>
    %lt3A_755 = arith.cmpf olt, %add3A_754, %min3A_743 : vector<256x128xf32>
    %min3A_756 = arith.minimumf %min3A_743, %add3A_754 : vector<256x128xf32>
    %jit3A_757 = arith.constant 1 : i32
    %broadcast_in_dim3A_758 = vector.broadcast %jit3A_757 : i32 to vector<256x128xi32>
    %select_n3A_759 = arith.select %lt3A_755, %broadcast_in_dim3A_758, %select_n3A_746 : vector<256x128xi1>, vector<256x128xi32>
    %get3A_760 = arith.constant 0 : index
    %get3A_761 = arith.constant 6400 : index
    %get3A_762 = vector.load %arg4[%get3A_760, %get3A_761] : memref<1x8192xf32, #tpu.memory_space<vmem>>, vector<1x128xf32>
    %add3A_763 = vector.broadcast %get3A_4 : vector<256x1xf32> to vector<256x128xf32>
    %add3A_764 = vector.broadcast %get3A_762 : vector<1x128xf32> to vector<256x128xf32>
    %add3A_765 = arith.addf %add3A_763, %add3A_764 : vector<256x128xf32>
    %slice3A_766 = vector.extract_strided_slice %dot_general3A_729 {offsets = [0, 256], sizes = [256, 128], strides = [1, 1]} : vector<256x2048xf32> to vector<256x128xf32>
    %add3A_767 = arith.addf %add3A_765, %slice3A_766 : vector<256x128xf32>
    %lt3A_768 = arith.cmpf olt, %add3A_767, %min3A_756 : vector<256x128xf32>
    %min3A_769 = arith.minimumf %min3A_756, %add3A_767 : vector<256x128xf32>
    %jit3A_770 = arith.constant 2 : i32
    %broadcast_in_dim3A_771 = vector.broadcast %jit3A_770 : i32 to vector<256x128xi32>
    %select_n3A_772 = arith.select %lt3A_768, %broadcast_in_dim3A_771, %select_n3A_759 : vector<256x128xi1>, vector<256x128xi32>
    %get3A_773 = arith.constant 0 : index
    %get3A_774 = arith.constant 6528 : index
    %get3A_775 = vector.load %arg4[%get3A_773, %get3A_774] : memref<1x8192xf32, #tpu.memory_space<vmem>>, vector<1x128xf32>
    %add3A_776 = vector.broadcast %get3A_4 : vector<256x1xf32> to vector<256x128xf32>
    %add3A_777 = vector.broadcast %get3A_775 : vector<1x128xf32> to vector<256x128xf32>
    %add3A_778 = arith.addf %add3A_776, %add3A_777 : vector<256x128xf32>
    %slice3A_779 = vector.extract_strided_slice %dot_general3A_729 {offsets = [0, 384], sizes = [256, 128], strides = [1, 1]} : vector<256x2048xf32> to vector<256x128xf32>
    %add3A_780 = arith.addf %add3A_778, %slice3A_779 : vector<256x128xf32>
    %lt3A_781 = arith.cmpf olt, %add3A_780, %min3A_769 : vector<256x128xf32>
    %min3A_782 = arith.minimumf %min3A_769, %add3A_780 : vector<256x128xf32>
    %jit3A_783 = arith.constant 3 : i32
    %broadcast_in_dim3A_784 = vector.broadcast %jit3A_783 : i32 to vector<256x128xi32>
    %select_n3A_785 = arith.select %lt3A_781, %broadcast_in_dim3A_784, %select_n3A_772 : vector<256x128xi1>, vector<256x128xi32>
    %get3A_786 = arith.constant 0 : index
    %get3A_787 = arith.constant 6656 : index
    %get3A_788 = vector.load %arg4[%get3A_786, %get3A_787] : memref<1x8192xf32, #tpu.memory_space<vmem>>, vector<1x128xf32>
    %add3A_789 = vector.broadcast %get3A_4 : vector<256x1xf32> to vector<256x128xf32>
    %add3A_790 = vector.broadcast %get3A_788 : vector<1x128xf32> to vector<256x128xf32>
    %add3A_791 = arith.addf %add3A_789, %add3A_790 : vector<256x128xf32>
    %slice3A_792 = vector.extract_strided_slice %dot_general3A_729 {offsets = [0, 512], sizes = [256, 128], strides = [1, 1]} : vector<256x2048xf32> to vector<256x128xf32>
    %add3A_793 = arith.addf %add3A_791, %slice3A_792 : vector<256x128xf32>
    %lt3A_794 = arith.cmpf olt, %add3A_793, %min3A_782 : vector<256x128xf32>
    %min3A_795 = arith.minimumf %min3A_782, %add3A_793 : vector<256x128xf32>
    %jit3A_796 = arith.constant 4 : i32
    %broadcast_in_dim3A_797 = vector.broadcast %jit3A_796 : i32 to vector<256x128xi32>
    %select_n3A_798 = arith.select %lt3A_794, %broadcast_in_dim3A_797, %select_n3A_785 : vector<256x128xi1>, vector<256x128xi32>
    %get3A_799 = arith.constant 0 : index
    %get3A_800 = arith.constant 6784 : index
    %get3A_801 = vector.load %arg4[%get3A_799, %get3A_800] : memref<1x8192xf32, #tpu.memory_space<vmem>>, vector<1x128xf32>
    %add3A_802 = vector.broadcast %get3A_4 : vector<256x1xf32> to vector<256x128xf32>
    %add3A_803 = vector.broadcast %get3A_801 : vector<1x128xf32> to vector<256x128xf32>
    %add3A_804 = arith.addf %add3A_802, %add3A_803 : vector<256x128xf32>
    %slice3A_805 = vector.extract_strided_slice %dot_general3A_729 {offsets = [0, 640], sizes = [256, 128], strides = [1, 1]} : vector<256x2048xf32> to vector<256x128xf32>
    %add3A_806 = arith.addf %add3A_804, %slice3A_805 : vector<256x128xf32>
    %lt3A_807 = arith.cmpf olt, %add3A_806, %min3A_795 : vector<256x128xf32>
    %min3A_808 = arith.minimumf %min3A_795, %add3A_806 : vector<256x128xf32>
    %jit3A_809 = arith.constant 5 : i32
    %broadcast_in_dim3A_810 = vector.broadcast %jit3A_809 : i32 to vector<256x128xi32>
    %select_n3A_811 = arith.select %lt3A_807, %broadcast_in_dim3A_810, %select_n3A_798 : vector<256x128xi1>, vector<256x128xi32>
    %get3A_812 = arith.constant 0 : index
    %get3A_813 = arith.constant 6912 : index
    %get3A_814 = vector.load %arg4[%get3A_812, %get3A_813] : memref<1x8192xf32, #tpu.memory_space<vmem>>, vector<1x128xf32>
    %add3A_815 = vector.broadcast %get3A_4 : vector<256x1xf32> to vector<256x128xf32>
    %add3A_816 = vector.broadcast %get3A_814 : vector<1x128xf32> to vector<256x128xf32>
    %add3A_817 = arith.addf %add3A_815, %add3A_816 : vector<256x128xf32>
    %slice3A_818 = vector.extract_strided_slice %dot_general3A_729 {offsets = [0, 768], sizes = [256, 128], strides = [1, 1]} : vector<256x2048xf32> to vector<256x128xf32>
    %add3A_819 = arith.addf %add3A_817, %slice3A_818 : vector<256x128xf32>
    %lt3A_820 = arith.cmpf olt, %add3A_819, %min3A_808 : vector<256x128xf32>
    %min3A_821 = arith.minimumf %min3A_808, %add3A_819 : vector<256x128xf32>
    %jit3A_822 = arith.constant 6 : i32
    %broadcast_in_dim3A_823 = vector.broadcast %jit3A_822 : i32 to vector<256x128xi32>
    %select_n3A_824 = arith.select %lt3A_820, %broadcast_in_dim3A_823, %select_n3A_811 : vector<256x128xi1>, vector<256x128xi32>
    %get3A_825 = arith.constant 0 : index
    %get3A_826 = arith.constant 7040 : index
    %get3A_827 = vector.load %arg4[%get3A_825, %get3A_826] : memref<1x8192xf32, #tpu.memory_space<vmem>>, vector<1x128xf32>
    %add3A_828 = vector.broadcast %get3A_4 : vector<256x1xf32> to vector<256x128xf32>
    %add3A_829 = vector.broadcast %get3A_827 : vector<1x128xf32> to vector<256x128xf32>
    %add3A_830 = arith.addf %add3A_828, %add3A_829 : vector<256x128xf32>
    %slice3A_831 = vector.extract_strided_slice %dot_general3A_729 {offsets = [0, 896], sizes = [256, 128], strides = [1, 1]} : vector<256x2048xf32> to vector<256x128xf32>
    %add3A_832 = arith.addf %add3A_830, %slice3A_831 : vector<256x128xf32>
    %lt3A_833 = arith.cmpf olt, %add3A_832, %min3A_821 : vector<256x128xf32>
    %min3A_834 = arith.minimumf %min3A_821, %add3A_832 : vector<256x128xf32>
    %jit3A_835 = arith.constant 7 : i32
    %broadcast_in_dim3A_836 = vector.broadcast %jit3A_835 : i32 to vector<256x128xi32>
    %select_n3A_837 = arith.select %lt3A_833, %broadcast_in_dim3A_836, %select_n3A_824 : vector<256x128xi1>, vector<256x128xi32>
    %get3A_838 = arith.constant 0 : index
    %get3A_839 = arith.constant 7168 : index
    %get3A_840 = vector.load %arg4[%get3A_838, %get3A_839] : memref<1x8192xf32, #tpu.memory_space<vmem>>, vector<1x128xf32>
    %add3A_841 = vector.broadcast %get3A_4 : vector<256x1xf32> to vector<256x128xf32>
    %add3A_842 = vector.broadcast %get3A_840 : vector<1x128xf32> to vector<256x128xf32>
    %add3A_843 = arith.addf %add3A_841, %add3A_842 : vector<256x128xf32>
    %slice3A_844 = vector.extract_strided_slice %dot_general3A_729 {offsets = [0, 1024], sizes = [256, 128], strides = [1, 1]} : vector<256x2048xf32> to vector<256x128xf32>
    %add3A_845 = arith.addf %add3A_843, %slice3A_844 : vector<256x128xf32>
    %lt3A_846 = arith.cmpf olt, %add3A_845, %min3A_834 : vector<256x128xf32>
    %min3A_847 = arith.minimumf %min3A_834, %add3A_845 : vector<256x128xf32>
    %jit3A_848 = arith.constant 8 : i32
    %broadcast_in_dim3A_849 = vector.broadcast %jit3A_848 : i32 to vector<256x128xi32>
    %select_n3A_850 = arith.select %lt3A_846, %broadcast_in_dim3A_849, %select_n3A_837 : vector<256x128xi1>, vector<256x128xi32>
    %get3A_851 = arith.constant 0 : index
    %get3A_852 = arith.constant 7296 : index
    %get3A_853 = vector.load %arg4[%get3A_851, %get3A_852] : memref<1x8192xf32, #tpu.memory_space<vmem>>, vector<1x128xf32>
    %add3A_854 = vector.broadcast %get3A_4 : vector<256x1xf32> to vector<256x128xf32>
    %add3A_855 = vector.broadcast %get3A_853 : vector<1x128xf32> to vector<256x128xf32>
    %add3A_856 = arith.addf %add3A_854, %add3A_855 : vector<256x128xf32>
    %slice3A_857 = vector.extract_strided_slice %dot_general3A_729 {offsets = [0, 1152], sizes = [256, 128], strides = [1, 1]} : vector<256x2048xf32> to vector<256x128xf32>
    %add3A_858 = arith.addf %add3A_856, %slice3A_857 : vector<256x128xf32>
    %lt3A_859 = arith.cmpf olt, %add3A_858, %min3A_847 : vector<256x128xf32>
    %min3A_860 = arith.minimumf %min3A_847, %add3A_858 : vector<256x128xf32>
    %jit3A_861 = arith.constant 9 : i32
    %broadcast_in_dim3A_862 = vector.broadcast %jit3A_861 : i32 to vector<256x128xi32>
    %select_n3A_863 = arith.select %lt3A_859, %broadcast_in_dim3A_862, %select_n3A_850 : vector<256x128xi1>, vector<256x128xi32>
    %get3A_864 = arith.constant 0 : index
    %get3A_865 = arith.constant 7424 : index
    %get3A_866 = vector.load %arg4[%get3A_864, %get3A_865] : memref<1x8192xf32, #tpu.memory_space<vmem>>, vector<1x128xf32>
    %add3A_867 = vector.broadcast %get3A_4 : vector<256x1xf32> to vector<256x128xf32>
    %add3A_868 = vector.broadcast %get3A_866 : vector<1x128xf32> to vector<256x128xf32>
    %add3A_869 = arith.addf %add3A_867, %add3A_868 : vector<256x128xf32>
    %slice3A_870 = vector.extract_strided_slice %dot_general3A_729 {offsets = [0, 1280], sizes = [256, 128], strides = [1, 1]} : vector<256x2048xf32> to vector<256x128xf32>
    %add3A_871 = arith.addf %add3A_869, %slice3A_870 : vector<256x128xf32>
    %lt3A_872 = arith.cmpf olt, %add3A_871, %min3A_860 : vector<256x128xf32>
    %min3A_873 = arith.minimumf %min3A_860, %add3A_871 : vector<256x128xf32>
    %jit3A_874 = arith.constant 10 : i32
    %broadcast_in_dim3A_875 = vector.broadcast %jit3A_874 : i32 to vector<256x128xi32>
    %select_n3A_876 = arith.select %lt3A_872, %broadcast_in_dim3A_875, %select_n3A_863 : vector<256x128xi1>, vector<256x128xi32>
    %get3A_877 = arith.constant 0 : index
    %get3A_878 = arith.constant 7552 : index
    %get3A_879 = vector.load %arg4[%get3A_877, %get3A_878] : memref<1x8192xf32, #tpu.memory_space<vmem>>, vector<1x128xf32>
    %add3A_880 = vector.broadcast %get3A_4 : vector<256x1xf32> to vector<256x128xf32>
    %add3A_881 = vector.broadcast %get3A_879 : vector<1x128xf32> to vector<256x128xf32>
    %add3A_882 = arith.addf %add3A_880, %add3A_881 : vector<256x128xf32>
    %slice3A_883 = vector.extract_strided_slice %dot_general3A_729 {offsets = [0, 1408], sizes = [256, 128], strides = [1, 1]} : vector<256x2048xf32> to vector<256x128xf32>
    %add3A_884 = arith.addf %add3A_882, %slice3A_883 : vector<256x128xf32>
    %lt3A_885 = arith.cmpf olt, %add3A_884, %min3A_873 : vector<256x128xf32>
    %min3A_886 = arith.minimumf %min3A_873, %add3A_884 : vector<256x128xf32>
    %jit3A_887 = arith.constant 11 : i32
    %broadcast_in_dim3A_888 = vector.broadcast %jit3A_887 : i32 to vector<256x128xi32>
    %select_n3A_889 = arith.select %lt3A_885, %broadcast_in_dim3A_888, %select_n3A_876 : vector<256x128xi1>, vector<256x128xi32>
    %get3A_890 = arith.constant 0 : index
    %get3A_891 = arith.constant 7680 : index
    %get3A_892 = vector.load %arg4[%get3A_890, %get3A_891] : memref<1x8192xf32, #tpu.memory_space<vmem>>, vector<1x128xf32>
    %add3A_893 = vector.broadcast %get3A_4 : vector<256x1xf32> to vector<256x128xf32>
    %add3A_894 = vector.broadcast %get3A_892 : vector<1x128xf32> to vector<256x128xf32>
    %add3A_895 = arith.addf %add3A_893, %add3A_894 : vector<256x128xf32>
    %slice3A_896 = vector.extract_strided_slice %dot_general3A_729 {offsets = [0, 1536], sizes = [256, 128], strides = [1, 1]} : vector<256x2048xf32> to vector<256x128xf32>
    %add3A_897 = arith.addf %add3A_895, %slice3A_896 : vector<256x128xf32>
    %lt3A_898 = arith.cmpf olt, %add3A_897, %min3A_886 : vector<256x128xf32>
    %min3A_899 = arith.minimumf %min3A_886, %add3A_897 : vector<256x128xf32>
    %jit3A_900 = arith.constant 12 : i32
    %broadcast_in_dim3A_901 = vector.broadcast %jit3A_900 : i32 to vector<256x128xi32>
    %select_n3A_902 = arith.select %lt3A_898, %broadcast_in_dim3A_901, %select_n3A_889 : vector<256x128xi1>, vector<256x128xi32>
    %get3A_903 = arith.constant 0 : index
    %get3A_904 = arith.constant 7808 : index
    %get3A_905 = vector.load %arg4[%get3A_903, %get3A_904] : memref<1x8192xf32, #tpu.memory_space<vmem>>, vector<1x128xf32>
    %add3A_906 = vector.broadcast %get3A_4 : vector<256x1xf32> to vector<256x128xf32>
    %add3A_907 = vector.broadcast %get3A_905 : vector<1x128xf32> to vector<256x128xf32>
    %add3A_908 = arith.addf %add3A_906, %add3A_907 : vector<256x128xf32>
    %slice3A_909 = vector.extract_strided_slice %dot_general3A_729 {offsets = [0, 1664], sizes = [256, 128], strides = [1, 1]} : vector<256x2048xf32> to vector<256x128xf32>
    %add3A_910 = arith.addf %add3A_908, %slice3A_909 : vector<256x128xf32>
    %lt3A_911 = arith.cmpf olt, %add3A_910, %min3A_899 : vector<256x128xf32>
    %min3A_912 = arith.minimumf %min3A_899, %add3A_910 : vector<256x128xf32>
    %jit3A_913 = arith.constant 13 : i32
    %broadcast_in_dim3A_914 = vector.broadcast %jit3A_913 : i32 to vector<256x128xi32>
    %select_n3A_915 = arith.select %lt3A_911, %broadcast_in_dim3A_914, %select_n3A_902 : vector<256x128xi1>, vector<256x128xi32>
    %get3A_916 = arith.constant 0 : index
    %get3A_917 = arith.constant 7936 : index
    %get3A_918 = vector.load %arg4[%get3A_916, %get3A_917] : memref<1x8192xf32, #tpu.memory_space<vmem>>, vector<1x128xf32>
    %add3A_919 = vector.broadcast %get3A_4 : vector<256x1xf32> to vector<256x128xf32>
    %add3A_920 = vector.broadcast %get3A_918 : vector<1x128xf32> to vector<256x128xf32>
    %add3A_921 = arith.addf %add3A_919, %add3A_920 : vector<256x128xf32>
    %slice3A_922 = vector.extract_strided_slice %dot_general3A_729 {offsets = [0, 1792], sizes = [256, 128], strides = [1, 1]} : vector<256x2048xf32> to vector<256x128xf32>
    %add3A_923 = arith.addf %add3A_921, %slice3A_922 : vector<256x128xf32>
    %lt3A_924 = arith.cmpf olt, %add3A_923, %min3A_912 : vector<256x128xf32>
    %min3A_925 = arith.minimumf %min3A_912, %add3A_923 : vector<256x128xf32>
    %jit3A_926 = arith.constant 14 : i32
    %broadcast_in_dim3A_927 = vector.broadcast %jit3A_926 : i32 to vector<256x128xi32>
    %select_n3A_928 = arith.select %lt3A_924, %broadcast_in_dim3A_927, %select_n3A_915 : vector<256x128xi1>, vector<256x128xi32>
    %get3A_929 = arith.constant 0 : index
    %get3A_930 = arith.constant 8064 : index
    %get3A_931 = vector.load %arg4[%get3A_929, %get3A_930] : memref<1x8192xf32, #tpu.memory_space<vmem>>, vector<1x128xf32>
    %add3A_932 = vector.broadcast %get3A_4 : vector<256x1xf32> to vector<256x128xf32>
    %add3A_933 = vector.broadcast %get3A_931 : vector<1x128xf32> to vector<256x128xf32>
    %add3A_934 = arith.addf %add3A_932, %add3A_933 : vector<256x128xf32>
    %slice3A_935 = vector.extract_strided_slice %dot_general3A_729 {offsets = [0, 1920], sizes = [256, 128], strides = [1, 1]} : vector<256x2048xf32> to vector<256x128xf32>
    %add3A_936 = arith.addf %add3A_934, %slice3A_935 : vector<256x128xf32>
    %lt3A_937 = arith.cmpf olt, %add3A_936, %min3A_925 : vector<256x128xf32>
    %min3A_938 = arith.minimumf %min3A_925, %add3A_936 : vector<256x128xf32>
    %jit3A_939 = arith.constant 15 : i32
    %broadcast_in_dim3A_940 = vector.broadcast %jit3A_939 : i32 to vector<256x128xi32>
    %select_n3A_941 = arith.select %lt3A_937, %broadcast_in_dim3A_940, %select_n3A_928 : vector<256x128xi1>, vector<256x128xi32>
    %reduce_min3A_942 = arith.constant dense<0x7F800000> : vector<256xf32>
    %reduce_min3A_943 = vector.multi_reduction <minimumf>, %min3A_938, %reduce_min3A_942 [1] : vector<256x128xf32> to vector<256xf32>
    %broadcast_in_dim3A_944 = vector.shape_cast %reduce_min3A_943 : vector<256xf32> to vector<256x1xf32>
    %iota3A_945 = tpu.iota {dimensions = array<i32: 1>} : vector<256x128xi32>
    %mul3A_946 = arith.constant 128 : i32
    %mul3A_947 = vector.broadcast %mul3A_946 : i32 to vector<256x128xi32>
    %mul3A_948 = arith.muli %select_n3A_941, %mul3A_947 : vector<256x128xi32>
    %add3A_949 = arith.addi %mul3A_948, %iota3A_945 : vector<256x128xi32>
    %eq3A_950 = vector.broadcast %broadcast_in_dim3A_944 : vector<256x1xf32> to vector<256x128xf32>
    %eq3A_951 = arith.cmpf oeq, %min3A_938, %eq3A_950 : vector<256x128xf32>
    %jit3A_952 = arith.constant 1073741824 : i32
    %broadcast_in_dim3A_953 = vector.broadcast %jit3A_952 : i32 to vector<256x128xi32>
    %select_n3A_954 = arith.select %eq3A_951, %add3A_949, %broadcast_in_dim3A_953 : vector<256x128xi1>, vector<256x128xi32>
    %reduce_min3A_955 = arith.constant dense<2147483647> : vector<256xi32>
    %reduce_min3A_956 = vector.multi_reduction <minsi>, %select_n3A_954, %reduce_min3A_955 [1] : vector<256x128xi32> to vector<256xi32>
    %broadcast_in_dim3A_957 = vector.shape_cast %reduce_min3A_956 : vector<256xi32> to vector<256x1xi32>
    %add3A_958 = arith.constant 6144 : i32
    %add3A_959 = vector.broadcast %add3A_958 : i32 to vector<256x1xi32>
    %add3A_960 = arith.addi %broadcast_in_dim3A_957, %add3A_959 : vector<256x1xi32>
    %max3A_961 = arith.constant 0.000000e+00 : f32
    %max3A_962 = vector.broadcast %max3A_961 : f32 to vector<256x1xf32>
    %max3A_963 = arith.maximumf %broadcast_in_dim3A_944, %max3A_962 : vector<256x1xf32>
    %sqrt3A_964 = math.sqrt %max3A_963 : vector<256x1xf32>
    %lt3A_965 = arith.cmpf olt, %sqrt3A_964, %select_n3A_723 : vector<256x1xf32>
    %select_n3A_966 = arith.select %lt3A_965, %add3A_960, %select_n3A_724 : vector<256x1xi1>, vector<256x1xi32>
    %swap3A = arith.constant 0 : index
    %swap3A_967 = arith.constant 0 : index
    %swap3A_968 = vector.load %arg5[%swap3A, %swap3A_967] : memref<256x1xi32, #tpu.memory_space<vmem>>, vector<256x1xi32>
    tpu.vector_store %arg5[%swap3A, %swap3A_967], %select_n3A_966 {strides = array<i32>} : memref<256x1xi32, #tpu.memory_space<vmem>>, vector<256x1xi32>,
    return
  }
  func.func @transform_0(%arg0: i32) -> (i32, i32) {
    %c0_i32 = arith.constant 0 : i32
    %c0_i32_0 = arith.constant 0 : i32
    return %arg0, %c0_i32 : i32, i32
  }
  func.func @transform_1(%arg0: i32) -> (i32, i32) {
    %c0_i32 = arith.constant 0 : i32
    %c0_i32_0 = arith.constant 0 : i32
    %c0_i32_1 = arith.constant 0 : i32
    return %c0_i32, %c0_i32_0 : i32, i32
  }
  func.func @transform_2(%arg0: i32) -> (i32, i32) {
    %c0_i32 = arith.constant 0 : i32
    %c0_i32_0 = arith.constant 0 : i32
    return %arg0, %c0_i32 : i32, i32
  }
  func.func @transform_3(%arg0: i32) -> (i32, i32) {
    %c0_i32 = arith.constant 0 : i32
    %c0_i32_0 = arith.constant 0 : i32
    %c0_i32_1 = arith.constant 0 : i32
    return %c0_i32, %c0_i32_0 : i32, i32
  }
  func.func @transform_4(%arg0: i32) -> (i32, i32) {
    %c0_i32 = arith.constant 0 : i32
    %c0_i32_0 = arith.constant 0 : i32
    return %arg0, %c0_i32 : i32, i32
  }
}

</mosaic_0001>

<sc_bundles>
// kernel: kernel.5.cloned.1.call-start
scs
__scs_entry_jumppad:
0x0: {  	(pc) =	sbr.rel $0x88, $3  }
0x1: {  	(tag) =	ssettag $0x0;
	lr =	simm.s32 $0x1  }
0x2: {  	[smem:$0x3F9F] =	sst lr;
	_ =	strace $0xD0000000  }
0x3: {  	_ = 	snop  }
0x4: {  	_ = 	snop  }
0x5: {  	_ = 	snop  }
0x6: {  	_ = 	snop  }
0x7: {  	_ = 	snop  }
__scs_overlays_trampoline_lowered:
0x8: {  	[smem:$0x3FAE] =	sst s0  }
0x9: {  	[smem:$0x3FAF] =	sst s1  }
0xa: {  	[smem:$0x3FB0] =	sst s2  }
0xb: {  	[smem:$0x3FB1] =	sst s3  }
0xc: {  	[smem:$0x3FB2] =	sst s4  }
0xd: {  	[smem:$0x3FB3] =	sst s5  }
0xe: {  	[smem:$0x3FB4] =	sst s6  }
0xf: {  	[smem:$0x3FB5] =	sst s7  }
0x10: {  	[smem:$0x3FB6] =	sst s8  }
0x11: {  	[smem:$0x3FB7] =	sst s9;
	s0 =	simm.s32 @!p0 $0x0  }
0x12: {  	s1 =	sld [smem:$0x3F9D];
	s0 =	simm.s32 @p0 $0x1  }
0x13: {  	[smem:$0x3FB8] =	sst s0;
	s0 =	simm.s32 @!p1 $0x0  }
0x14: {  	s2 =	sld [smem:$0x3F9C];
	s0 =	simm.s32 @p1 $0x1  }
0x15: {  	[smem:$0x3FB9] =	sst s0;
	s0 =	simm.s32 @!p2 $0x0  }
0x16: {  	s3 =	sld [smem:$0x3FDB];
	s0 =	simm.s32 @p2 $0x1  }
0x17: {  	s4 =	simm.s32 $0x1BF5;
	[smem:$0x3FBB] =	sst s0  }
0x18: {  	s0 =	sld [smem:$0x3F9E];
	_ =	swait.ge [sflag:s4], $0x0  }
0x19: {  	s7 =	sld [smem:$0x3F9F]  }
0x1a: {  	s8 =	sadd.s32 $0xFFFFE003, lr  }
0x1b: {  	s9 =	sadd.s32 $0xFFFFFEF7, lr;
	s5 =	simm.s32 $0xFFFFFFFF;
	p2 =	slt.u32 s8, $0xFFFFF086  }
0x1c: {  	p1 =	slt.u32 s9, $0xF7A;
	s5 =	simm.s32 @!p2 $0x0  }
0x1d: {  	s5 =	simm.s32 @p1 $0x1;
	p0 =	seq.s32 s7, s2  }
0x1e: {  	s7 =	smul.u32 @!p0 $0xF7A, s2;
	p2 =	seq.s32 @!p0 s5, $0x0  }
0x1f: {  	s9 =	smul.u32 $0xF7A, s1;
	s8 =	simm.s32 @!p0 $0x1BF5;
	p2 =	por !p2, p0  }
0x20: {  	[sflag:s8] =	ssyncset.s32 @!p0 $0xFFFFF086;
	s6 =	sadd.s32 @!p0 s3, s7;
	s7 =	simm.s32 @!p0 $0x108  }
0x21: {  	s3 =	sadd.s32 s3, s9;
	s6 =	sadd.s32 @!p0 $0x88, s6;
	s7 =	simm.s32 @p2 $0x1082  }
0x22: {  	[simem:s7], [sflag:s8] =	dma.local @!p0 [hbm:s6], $0xF7A  }
0x23: {  	s9 =	sor.u32 $0xD0000000, s2;
	s6 =	simm.s32 $0x108;
	_ =	swait.ge @!p0 [sflag:s8], $0x0  }
0x24: {  	s3 =	sadd.s32 $0x88, s3;
	s6 =	simm.s32 @!p1 $0x1082;
	[sflag:s4] =	ssyncset.s32 $0xFFFFF086  }
0x25: {  	[simem:s6], [sflag:s4] =	dma.local [hbm:s3], $0xF7A  }
0x26: {  	[smem:$0x3F9F] =	sst s1;
	(tag) =	ssettag s2;
	_ =	strace s9  }
0x27: {  	s1 =	sld [smem:$0x3FAF]  }
0x28: {  	s2 =	sld [smem:$0x3FB0]  }
0x29: {  	s4 =	sld [smem:$0x3FB2]  }
0x2a: {  	p0 =	seq.s32 s5, $0x0;
	s5 =	sld [smem:$0x3FB3]  }
0x2b: {  	s6 =	sld [smem:$0x3FB4]  }
0x2c: {  	s7 =	sld [smem:$0x3FB5]  }
0x2d: {  	s3 =	simm.s32 $0x108;
	s8 =	sld [smem:$0x3FB6]  }
0x2e: {  	s3 =	simm.s32 @!p0 $0x1082;
	s9 =	sld [smem:$0x3FB7]  }
0x2f: {  	lr =	sadd.s32 s0, s3;
	s0 =	sld [smem:$0x3FAE]  }
0x30: {  	s3 =	sld [smem:$0x3FB1]  }
0x31: {  	[smem:$0x3FBA] =	sst s10  }
0x32: {  	s10 =	sld [smem:$0x3FB8];
	_ =	sdelay $0x3  }
0x33: {  	p0 =	seq.s32 s10, $0x1;
	s10 =	sld [smem:$0x3FBA];
	_ =	sdelay $0x3  }
0x34: {  	[smem:$0x3FBA] =	sst s10  }
0x35: {  	s10 =	sld [smem:$0x3FB9];
	_ =	sdelay $0x3  }
0x36: {  	p1 =	seq.s32 s10, $0x1;
	s10 =	sld [smem:$0x3FBA];
	_ =	sdelay $0x3  }
0x37: {  	[smem:$0x3FBA] =	sst s10  }
0x38: {  	s10 =	sld [smem:$0x3FBB]  }
0x39: {  	_ = 	snop;
	(pc) =	sbr.ind lr, $3  }
0x3a: {  	_ = 	snop  }
0x3b: {  	_ = 	snop  }
0x3c: {  	p2 =	seq.s32 s10, $0x1;
	s10 =	sld [smem:$0x3FBA]  }
0x3d: {  	_ =	shalt  }
0x3e: {  	_ =	shalt  }
0x3f: {  	_ =	shalt  }
0x40: {  	_ =	shalt  }
0x41: {  	_ =	shalt  }
0x42: {  	_ =	shalt  }
0x43: {  	_ =	shalt  }
0x44: {  	_ =	shalt  }
0x45: {  	_ =	shalt  }
0x46: {  	_ =	shalt  }
0x47: {  	_ =	shalt  }
0x48: {  	_ =	shalt  }
0x49: {  	_ =	shalt  }
0x4a: {  	_ =	shalt  }
0x4b: {  	_ =	shalt  }
0x4c: {  	_ =	shalt  }
0x4d: {  	_ =	shalt  }
0x4e: {  	_ =	shalt  }
0x4f: {  	_ =	shalt  }
0x50: {  	_ =	shalt  }
0x51: {  	_ =	shalt  }
0x52: {  	_ =	shalt  }
0x53: {  	_ =	shalt  }
0x54: {  	_ =	shalt  }
0x55: {  	_ =	shalt  }
0x56: {  	_ =	shalt  }
0x57: {  	_ =	shalt  }
0x58: {  	_ =	shalt  }
0x59: {  	_ =	shalt  }
0x5a: {  	_ =	shalt  }
0x5b: {  	_ =	shalt  }
0x5c: {  	_ =	shalt  }
0x5d: {  	_ =	shalt  }
0x5e: {  	_ =	shalt  }
0x5f: {  	_ =	shalt  }
0x60: {  	_ =	shalt  }
0x61: {  	_ =	shalt  }
0x62: {  	_ =	shalt  }
0x63: {  	_ =	shalt  }
0x64: {  	_ =	shalt  }
0x65: {  	_ =	shalt  }
0x66: {  	_ =	shalt  }
0x67: {  	_ =	shalt  }
0x68: {  	_ =	shalt  }
0x69: {  	_ =	shalt  }
0x6a: {  	_ =	shalt  }
0x6b: {  	_ =	shalt  }
0x6c: {  	_ =	shalt  }
0x6d: {  	_ =	shalt  }
0x6e: {  	_ =	shalt  }
0x6f: {  	_ =	shalt  }
0x70: {  	_ =	shalt  }
0x71: {  	_ =	shalt  }
0x72: {  	_ =	shalt  }
0x73: {  	_ =	shalt  }
0x74: {  	_ =	shalt  }
0x75: {  	_ =	shalt  }
0x76: {  	_ =	shalt  }
0x77: {  	_ =	shalt  }
0x78: {  	_ =	shalt  }
0x79: {  	_ =	shalt  }
0x7a: {  	_ =	shalt  }
0x7b: {  	_ =	shalt  }
0x7c: {  	_ =	shalt  }
0x7d: {  	_ =	shalt  }
0x7e: {  	_ =	shalt  }
0x7f: {  	_ =	shalt  }
0x80: {  	_ =	shalt  }
0x81: {  	_ =	shalt  }
0x82: {  	_ =	shalt  }
0x83: {  	_ =	shalt  }
0x84: {  	_ =	shalt  }
0x85: {  	_ =	shalt  }
0x86: {  	_ =	shalt  }
0x87: {  	_ =	shalt  }
.Lfunc_end0:
.L_simem_size_0:
called_computation_lowered:
.L_overlay_start_0:
0x88: {  	s2 =	sld [smem:$0x3FD9]  }
0x89: {  	s3 =	sld [smem:$0x3FFE];
	_ =	sdelay $0x1  }
0x8a: {  	s1 =	srdreg.scid  }
0x8b: {  	s0 =	sand.u32 $0x1, s1  }
0x8c: {  	s14 =	sshll.u32 s0, $0xA;
	s2 =	sadd.s32 s3, s2  }
0x8d: {  	s2 =	sadd.s32 s2, s14  }
0x8e: {  	[smem:$0x3FC6] =	sst s2  }
0x8f: {  	_ = 	snop  }
0x90: {  	s2 =	sld [smem:$0x3FD0];
	_ =	sdelay $0x2  }
0x91: {  	s4 =	simm.s32 $0xA;
	s5 =	simm.s32 $0x10;
	s15 =	sld [smem:$0x3FC8]  }
0x92: {  	[smem:s5], [sflag:s4] =	dma.local [hbm:s2], $0x1  }
0x93: {  	_ =	swait.eq [sflag:s4], $0x1  }
0x94: {  	[sflag:s4] =	ssyncset.done $0x0  }
0x95: {  	[sflag:s4] =	ssyncadd.s32 $0xFFFFFFFF  }
0x96: {  	s16 =	sld [smem:$0x10];
	(tm) =	ssettm $0x1  }
0x97: {  	s17 =	sld [smem:$0x3FFB];
	_ =	sdelay $0x3  }
0x98: {  	_ =	strace s17  }
0x99: {  	s4 =	sld [smem:$0x3FFC];
	_ =	sdelay $0x3  }
0x9a: {  	_ =	strace s4  }
0x9b: {  	s4 =	sld [smem:$0x3FFD];
	_ =	sdelay $0x3  }
0x9c: {  	_ =	strace s4  }
0x9d: {  	_ =	strace $0x8FFFFFFF  }
0x9e: {  	s18 =	sld [smem:$0x3FDB];
	_ =	sdelay $0x1  }
0x9f: {  	s19 =	simm.s32 $_scs_section_size  }
0xa0: {  	s6 =	simm.s32 $_size__tile_overlayer_lowered;
	s7 =	simm.s32 $_tile_overlayer_lowered  }
0xa1: {  	s22 =	simm.s32 $0x1BFF;
	s21 =	sshll.u32 s7, $0x1;
	s4 =	sadd.s32 s19, s18  }
0xa2: {  	s8 =	simm.s32 $0x0;
	s20 =	sshll.u32 s6, $0x1;
	s6 =	sadd.s32 s21, s4  }
0xa3: {  	[timem:s8], [sflag:s22] =	dma.local [hbm:s6], s20  }
0xa4: {  	_ =	swait.ge [sflag:s22], s20  }
0xa5: {  	s5 =	ssub.s32 $0x0, s20;
	[sflag:s22] =	ssyncset.done $0x0  }
0xa6: {  	[sflag:s22] =	ssyncadd.s32 s5;
	_ =	sdelay $0x1  }
0xa7: {  	s23 =	simm.s32 $0x1B8B  }
0xa8: {  	_ =	swait.ge [sflag:s23], $0x1  }
0xa9: {  	[sflag:s23] =	ssyncset.done $0x0  }
0xaa: {  	s25 =	simm.s32 $0x1B8E;
	s24 =	sld [smem:$0x3FFE];
	[sflag:s23] =	ssyncadd.s32 $0xFFFFFFFF  }
0xab: {  	s26 =	simm.s32 $execute0_lowered;
	[smem:$0x3FD2] =	sst s25  }
0xac: {  	s6 =	sshll.u32 s26, $0x1;
	_ =	strace $0x80000046;
	[dreg:$0x1] =	wrdreg $0xFFFFFFFF  }
0xad: {  	s28 =	simm.s32 $_size_execute0_lowered;
	s4 =	sadd.s32 s4, s6;
	[dreg:$0x0] =	wrdreg $0x0  }
0xae: {  	s6 =	sshll.u32 s28, $0x1;
	[dreg:$0x2] =	wrdreg s4  }
0xaf: {  	[dreg:$0x3] =	wrdreg s6  }
0xb0: {  	[dreg:$0x4] =	wrdreg $0xC0  }
0xb1: {  	_ =	task [dreg:s8], $0x5FFFF  }
0xb2: {  	[dreg:$0x1] =	wrdreg $0xFFFFFFFF  }
0xb3: {  	[dreg:$0x0] =	wrdreg $0x60  }
0xb4: {  	[dreg:$0x2] =	wrdreg s15  }
0xb5: {  	[dreg:$0x3] =	wrdreg s24  }
0xb6: {  	[dreg:$0x4] =	wrdreg s16  }
0xb7: {  	[dreg:$0x5] =	wrdreg $0x9  }
0xb8: {  	_ =	task.clear_ibuf [dreg:s8], $0x6FFFF;
	_ =	strace $0x90000046  }
0xb9: {  	s29 =	simm.s32 $0x9;
	_ =	strace $0x80000048  }
0xba: {  	_ =	swait.ge [sflag:s29], $0x1  }
0xbb: {  	[sflag:s29] =	ssyncadd.s32 $0xFFFFFFFF  }
0xbc: {  	_ =	strace $0x90000048  }
0xbd: {  	_ =	sfence  }
0xbe: {  	s30 =	sld [smem:$0x0];
	_ =	sdelay $0x2  }
0xbf: {  	s31 =	sshll.u32 s1, $0xD;
	s1 =	sshrl.u32 s1, $0x2  }
0xc0: {  	s3 =	sand.u32 $0x4000, s31;
	s1 =	sadd.s32 s1, s30  }
0xc1: {  	s0 =	sor.u32 s3, s0;
	s1 =	sshll.u32 s1, $0x11  }
0xc2: {  	s0 =	sor.u32 s1, s0  }
0xc3: {  	s0 =	sadd.s32 $0x8F2B, s0  }
0xc4: {  	[sflag:s0] =	ssyncadd.remote.s32 $0x1  }
0xc5: {  	_ =	sfence.sel $0xFFFF  }
0xc6: {  	[dreg:$0x0] =	wrdreg $0xFFFFFFFF;
	(pc) =	sbr.abs _section_cstart, $3  }
0xc7: {  	[dreg:$0x1] =	wrdreg $0xFFFFFFFF  }
0xc8: {  	_ =	task.clear_ibuf [dreg:s8], $0x2FFFF;
	_ =	strace $0x9FFFFFFF  }
0xc9: {  	(tm) =	ssettm $0x7FFFFFFF  }
tec
execute0_lowered:
.L_overlay_start_1:
0x0: {  	(tag) =	ssettag $0x1  }
0x1: {  	s1 =	rddreg [dreg:$0x0]  }
0x2: {  	s2 =	srdreg.scid;
	s4 =	rddreg [dreg:$0x1]  }
0x3: {  	s0 =	stileid.u32;
	s6 =	rddreg [dreg:$0x2];
	s19 =	simm.s32 $0x900  }
0x4: {  	s20 =	simm.s32 $0x1100;
	s21 =	simm.s32 $0x1900;
	s23 =	simm.s32 $0x2100  }
0x5: {  	s24 =	simm.s32 $0x2900;
	s25 =	simm.s32 $0x3100;
	s26 =	simm.s32 $0x3900  }
0x6: {  	s8 =	simm.s32 $0x4900;
	s9 =	simm.s32 $0x5100;
	s10 =	simm.s32 $0x5900  }
0x7: {  	s11 =	simm.s32 $0x6100;
	s12 =	simm.s32 $0x6900;
	s13 =	simm.s32 $0x7100  }
0x8: {  	s14 =	simm.s32 $0x7900;
	s15 =	simm.s32 $0x8100;
	s2 =	sand.u32 $0x1, s2  }
0x9: {  	s16 =	simm.s32 $0x8900;
	s3 =	sshll.u32 s0, $0x9;
	s5 =	sshll.u32 s2, $0x8  }
0xa: {  	s17 =	simm.s32 $0x9100;
	s5 =	sor.u32 s5, s3;
	s3 =	simm.s32 $0x0  }
0xb: {  	s28 =	simm.s32 $0xE100;
	s29 =	simm.s32 $0xE900;
	[smem:$0x7FF] =	sst s3  }
0xc: {  	s30 =	simm.s32 $0xF100;
	_ =	strace $0x80000047;
	[dreg:$0x6] =	wrdreg s19  }
0xd: {  	s31 =	simm.s32 $0xF900;
	s2 =	ssub.s32 $0x2, s2;
	[dreg:$0x7] =	wrdreg s20  }
0xe: {  	s22 =	sshrl.u32 s2, $0x1;
	s7 =	sshrl.u32 s5, $0x3;
	[dreg:$0x8] =	wrdreg s21  }
0xf: {  	s5 =	sshll.u32 s5, $0x5;
	s2 =	ssub.s32 s2, s22;
	[dreg:$0x9] =	wrdreg s23  }
0x10: {  	s22 =	simm.s32 $0xB900;
	s4 =	sadd.s32 s7, s4;
	[dreg:$0xa] =	wrdreg s24  }
0x11: {  	s18 =	sadd.s32 s6, s5;
	s5 =	simm.s32 $0x2;
	[dreg:$0xb] =	wrdreg s25  }
0x12: {  	s6 =	simm.s32 $0x100;
	[dreg:$0xc] =	wrdreg s26;
	s19 =	simm.s32 $0xA100  }
0x13: {  	s20 =	simm.s32 $0xA900;
	s21 =	simm.s32 $0xB100;
	s23 =	simm.s32 $0xC100  }
0x14: {  	v2 =	vlaneseq.u32;
	s24 =	simm.s32 $0xC900;
	s25 =	simm.s32 $0xD100;
	s26 =	simm.s32 $0xD900  }
0x15: {  	vm0 =	vmmov $0xffff;
	v1 =	vshrl.u32 v2, $0x3;
	s4 =	sadd.s32 $0xA00, s4;
	[dreg:$0x5] =	wrdreg s18;
	s18 =	simm.s32 $0x9900  }
0x16: {  	v0 =	vand.u32 $0x7, v2;
	v2 =	vor.u32 $0x8, v2;
	v1 =	vmul.u32 $0x8, v1;
	[dreg:$0x4] =	wrdreg s4;
	s4 =	smax.u32 s2, $0x1;
	s2 =	simm.s32 $0x1  }
.LBB2_1:
0x17: {  	s0 =	rddreg [dreg:$0x4]  }
0x18: {  	[tilespmem:s3], [sflag:$0x2] =	stream.linear.gather [hbm4b:s0+s3], $0x100, $0x38;
	[tilespmem:$0x10100] =	vst v63  }
0x19: {  	_ =	swait.ge [sflag:s5], $0x100  }
0x1a: {  	[sflag:s5] =	ssyncset.done $0x0  }
0x1b: {  	[sflag:s5] =	ssyncadd.s32 $0xFFFFFF00  }
0x1c: {  	v3 =	vld [tilespmem:$0x0];
	_ =	sdelay $0x4  }
0x1d: {  	v4 =	vshll.u32 v3, $0x1  }
0x1e: {  	v3 =	vand.u32 $0x7, v3;
	v4 =	vand.u32 $0xFFFFFFF0, v4  }
0x1f: {  	v3 =	vor.u32 v3, v4  }
0x20: {  	v4 =	vperm.xlane v3, v0;
	_ =	sdelay $0x1  }
0x21: {  	v3 =	vperm.xlane v3, v2;
	v4 =	vadd.s32 v1, v4;
	_ =	sdelay $0x1  }
0x22: {  	v3 =	vadd.s32 v1, v3;
	_ =	sdelay $0x2  }
0x23: {  	[tilespmem:s6], [sflag:$0x1] =	stream.indirect_vreg.gather [hbm4b:s1+s3], $0x80, v4, vm0, $0xb8;
	[tilespmem:$0x10100] =	vst v63  }
0x24: {  	s7 =	rddreg [dreg:$0x6]  }
0x25: {  	[tilespmem:s7], [sflag:$0x1] =	stream.indirect_vreg.gather [hbm4b:s1+s3], $0x80, v3, vm0, $0xb8;
	[tilespmem:$0x10100] =	vst v63  }
0x26: {  	v3 =	vld [tilespmem:$0x10];
	_ =	sdelay $0x4  }
0x27: {  	v49 =	vshll.u32 v3, $0x1  }
0x28: {  	v3 =	vand.u32 $0x7, v3;
	v4 =	vand.u32 $0xFFFFFFF0, v49  }
0x29: {  	v3 =	vor.u32 v3, v4  }
0x2a: {  	v4 =	vperm.xlane v3, v0;
	_ =	sdelay $0x1  }
0x2b: {  	v3 =	vperm.xlane v3, v2;
	v4 =	vadd.s32 v1, v4;
	_ =	sdelay $0x1  }
0x2c: {  	v3 =	vadd.s32 v1, v3;
	_ =	sdelay $0x1  }
0x2d: {  	s0 =	rddreg [dreg:$0x7]  }
0x2e: {  	[tilespmem:s0], [sflag:$0x1] =	stream.indirect_vreg.gather [hbm4b:s1+s3], $0x80, v4, vm0, $0xb8;
	[tilespmem:$0x10100] =	vst v63  }
0x2f: {  	s7 =	rddreg [dreg:$0x8]  }
0x30: {  	[tilespmem:s7], [sflag:$0x1] =	stream.indirect_vreg.gather [hbm4b:s1+s3], $0x80, v3, vm0, $0xb8;
	[tilespmem:$0x10100] =	vst v63  }
0x31: {  	v3 =	vld [tilespmem:$0x20];
	_ =	sdelay $0x4  }
0x32: {  	v50 =	vshll.u32 v3, $0x1  }
0x33: {  	v3 =	vand.u32 $0x7, v3;
	v4 =	vand.u32 $0xFFFFFFF0, v50  }
0x34: {  	v3 =	vor.u32 v3, v4  }
0x35: {  	v4 =	vperm.xlane v3, v0;
	_ =	sdelay $0x1  }
0x36: {  	v3 =	vperm.xlane v3, v2;
	v4 =	vadd.s32 v1, v4;
	_ =	sdelay $0x1  }
0x37: {  	v3 =	vadd.s32 v1, v3;
	_ =	sdelay $0x1  }
0x38: {  	s0 =	rddreg [dreg:$0x9]  }
0x39: {  	[tilespmem:s0], [sflag:$0x1] =	stream.indirect_vreg.gather [hbm4b:s1+s3], $0x80, v4, vm0, $0xb8;
	[tilespmem:$0x10100] =	vst v63  }
0x3a: {  	s7 =	rddreg [dreg:$0xa]  }
0x3b: {  	[tilespmem:s7], [sflag:$0x1] =	stream.indirect_vreg.gather [hbm4b:s1+s3], $0x80, v3, vm0, $0xb8;
	[tilespmem:$0x10100] =	vst v63  }
0x3c: {  	v3 =	vld [tilespmem:$0x30];
	_ =	sdelay $0x4  }
0x3d: {  	v51 =	vshll.u32 v3, $0x1  }
0x3e: {  	v3 =	vand.u32 $0x7, v3;
	v4 =	vand.u32 $0xFFFFFFF0, v51  }
0x3f: {  	v3 =	vor.u32 v3, v4  }
0x40: {  	v4 =	vperm.xlane v3, v0;
	_ =	sdelay $0x1  }
0x41: {  	v3 =	vperm.xlane v3, v2;
	v4 =	vadd.s32 v1, v4;
	_ =	sdelay $0x1  }
0x42: {  	v3 =	vadd.s32 v1, v3;
	_ =	sdelay $0x1  }
0x43: {  	s0 =	rddreg [dreg:$0xb]  }
0x44: {  	[tilespmem:s0], [sflag:$0x1] =	stream.indirect_vreg.gather [hbm4b:s1+s3], $0x80, v4, vm0, $0xb8;
	[tilespmem:$0x10100] =	vst v63  }
0x45: {  	s7 =	rddreg [dreg:$0xc]  }
0x46: {  	[tilespmem:s7], [sflag:$0x1] =	stream.indirect_vreg.gather [hbm4b:s1+s3], $0x80, v3, vm0, $0xb8;
	[tilespmem:$0x10100] =	vst v63  }
0x47: {  	v3 =	vld [tilespmem:$0x40];
	_ =	sdelay $0x4  }
0x48: {  	v52 =	vshll.u32 v3, $0x1  }
0x49: {  	v3 =	vand.u32 $0x7, v3;
	v4 =	vand.u32 $0xFFFFFFF0, v52  }
0x4a: {  	v3 =	vor.u32 v3, v4  }
0x4b: {  	v4 =	vperm.xlane v3, v0;
	_ =	sdelay $0x1  }
0x4c: {  	v3 =	vperm.xlane v3, v2;
	v4 =	vadd.s32 v1, v4;
	_ =	sdelay $0x1  }
0x4d: {  	v3 =	vadd.s32 v1, v3;
	_ =	sdelay $0x1  }
0x4e: {  	s7 =	simm.s32 $0x4100  }
0x4f: {  	[tilespmem:s7], [sflag:$0x1] =	stream.indirect_vreg.gather [hbm4b:s1+s3], $0x80, v4, vm0, $0xb8;
	[tilespmem:$0x10100] =	vst v63  }
0x50: {  	_ = 	snop  }
0x51: {  	[tilespmem:s8], [sflag:$0x1] =	stream.indirect_vreg.gather [hbm4b:s1+s3], $0x80, v3, vm0, $0xb8;
	[tilespmem:$0x10100] =	vst v63  }
0x52: {  	v3 =	vld [tilespmem:$0x50];
	_ =	sdelay $0x4  }
0x53: {  	v53 =	vshll.u32 v3, $0x1  }
0x54: {  	v3 =	vand.u32 $0x7, v3;
	v4 =	vand.u32 $0xFFFFFFF0, v53  }
0x55: {  	v3 =	vor.u32 v3, v4  }
0x56: {  	v4 =	vperm.xlane v3, v0;
	_ =	sdelay $0x1  }
0x57: {  	v3 =	vperm.xlane v3, v2;
	v4 =	vadd.s32 v1, v4;
	_ =	sdelay $0x1  }
0x58: {  	v3 =	vadd.s32 v1, v3;
	_ =	sdelay $0x2  }
0x59: {  	[tilespmem:s9], [sflag:$0x1] =	stream.indirect_vreg.gather [hbm4b:s1+s3], $0x80, v4, vm0, $0xb8;
	[tilespmem:$0x10100] =	vst v63  }
0x5a: {  	_ = 	snop  }
0x5b: {  	[tilespmem:s10], [sflag:$0x1] =	stream.indirect_vreg.gather [hbm4b:s1+s3], $0x80, v3, vm0, $0xb8;
	[tilespmem:$0x10100] =	vst v63  }
0x5c: {  	v3 =	vld [tilespmem:$0x60];
	_ =	sdelay $0x4  }
0x5d: {  	v54 =	vshll.u32 v3, $0x1  }
0x5e: {  	v3 =	vand.u32 $0x7, v3;
	v4 =	vand.u32 $0xFFFFFFF0, v54  }
0x5f: {  	v3 =	vor.u32 v3, v4  }
0x60: {  	v4 =	vperm.xlane v3, v0;
	_ =	sdelay $0x1  }
0x61: {  	v3 =	vperm.xlane v3, v2;
	v4 =	vadd.s32 v1, v4;
	_ =	sdelay $0x1  }
0x62: {  	v3 =	vadd.s32 v1, v3;
	_ =	sdelay $0x2  }
0x63: {  	[tilespmem:s11], [sflag:$0x1] =	stream.indirect_vreg.gather [hbm4b:s1+s3], $0x80, v4, vm0, $0xb8;
	[tilespmem:$0x10100] =	vst v63  }
0x64: {  	_ = 	snop  }
0x65: {  	[tilespmem:s12], [sflag:$0x1] =	stream.indirect_vreg.gather [hbm4b:s1+s3], $0x80, v3, vm0, $0xb8;
	[tilespmem:$0x10100] =	vst v63  }
0x66: {  	v3 =	vld [tilespmem:$0x70];
	_ =	sdelay $0x4  }
0x67: {  	v55 =	vshll.u32 v3, $0x1  }
0x68: {  	v3 =	vand.u32 $0x7, v3;
	v4 =	vand.u32 $0xFFFFFFF0, v55  }
0x69: {  	v3 =	vor.u32 v3, v4  }
0x6a: {  	v4 =	vperm.xlane v3, v0;
	_ =	sdelay $0x1  }
0x6b: {  	v3 =	vperm.xlane v3, v2;
	v4 =	vadd.s32 v1, v4;
	_ =	sdelay $0x1  }
0x6c: {  	v3 =	vadd.s32 v1, v3;
	_ =	sdelay $0x2  }
0x6d: {  	[tilespmem:s13], [sflag:$0x1] =	stream.indirect_vreg.gather [hbm4b:s1+s3], $0x80, v4, vm0, $0xb8;
	[tilespmem:$0x10100] =	vst v63  }
0x6e: {  	_ = 	snop  }
0x6f: {  	[tilespmem:s14], [sflag:$0x1] =	stream.indirect_vreg.gather [hbm4b:s1+s3], $0x80, v3, vm0, $0xb8;
	[tilespmem:$0x10100] =	vst v63  }
0x70: {  	v3 =	vld [tilespmem:$0x80];
	_ =	sdelay $0x4  }
0x71: {  	v56 =	vshll.u32 v3, $0x1  }
0x72: {  	v3 =	vand.u32 $0x7, v3;
	v4 =	vand.u32 $0xFFFFFFF0, v56  }
0x73: {  	v3 =	vor.u32 v3, v4  }
0x74: {  	v4 =	vperm.xlane v3, v0;
	_ =	sdelay $0x1  }
0x75: {  	v3 =	vperm.xlane v3, v2;
	v4 =	vadd.s32 v1, v4;
	_ =	sdelay $0x1  }
0x76: {  	v3 =	vadd.s32 v1, v3;
	_ =	sdelay $0x2  }
0x77: {  	[tilespmem:s15], [sflag:$0x1] =	stream.indirect_vreg.gather [hbm4b:s1+s3], $0x80, v4, vm0, $0xb8;
	[tilespmem:$0x10100] =	vst v63  }
0x78: {  	_ = 	snop  }
0x79: {  	[tilespmem:s16], [sflag:$0x1] =	stream.indirect_vreg.gather [hbm4b:s1+s3], $0x80, v3, vm0, $0xb8;
	[tilespmem:$0x10100] =	vst v63  }
0x7a: {  	v3 =	vld [tilespmem:$0x90];
	_ =	sdelay $0x4  }
0x7b: {  	v57 =	vshll.u32 v3, $0x1  }
0x7c: {  	v3 =	vand.u32 $0x7, v3;
	v4 =	vand.u32 $0xFFFFFFF0, v57  }
0x7d: {  	v3 =	vor.u32 v3, v4  }
0x7e: {  	v4 =	vperm.xlane v3, v0;
	_ =	sdelay $0x1  }
0x7f: {  	v3 =	vperm.xlane v3, v2;
	v4 =	vadd.s32 v1, v4;
	_ =	sdelay $0x1  }
0x80: {  	v3 =	vadd.s32 v1, v3;
	_ =	sdelay $0x2  }
0x81: {  	[tilespmem:s17], [sflag:$0x1] =	stream.indirect_vreg.gather [hbm4b:s1+s3], $0x80, v4, vm0, $0xb8;
	[tilespmem:$0x10100] =	vst v63  }
0x82: {  	_ = 	snop  }
0x83: {  	[tilespmem:s18], [sflag:$0x1] =	stream.indirect_vreg.gather [hbm4b:s1+s3], $0x80, v3, vm0, $0xb8;
	[tilespmem:$0x10100] =	vst v63  }
0x84: {  	v3 =	vld [tilespmem:$0xA0];
	_ =	sdelay $0x4  }
0x85: {  	v58 =	vshll.u32 v3, $0x1  }
0x86: {  	v3 =	vand.u32 $0x7, v3;
	v4 =	vand.u32 $0xFFFFFFF0, v58  }
0x87: {  	v3 =	vor.u32 v3, v4  }
0x88: {  	v4 =	vperm.xlane v3, v0;
	_ =	sdelay $0x1  }
0x89: {  	v3 =	vperm.xlane v3, v2;
	v4 =	vadd.s32 v1, v4;
	_ =	sdelay $0x1  }
0x8a: {  	v3 =	vadd.s32 v1, v3;
	_ =	sdelay $0x2  }
0x8b: {  	[tilespmem:s19], [sflag:$0x1] =	stream.indirect_vreg.gather [hbm4b:s1+s3], $0x80, v4, vm0, $0xb8;
	[tilespmem:$0x10100] =	vst v63  }
0x8c: {  	_ = 	snop  }
0x8d: {  	[tilespmem:s20], [sflag:$0x1] =	stream.indirect_vreg.gather [hbm4b:s1+s3], $0x80, v3, vm0, $0xb8;
	[tilespmem:$0x10100] =	vst v63  }
0x8e: {  	v3 =	vld [tilespmem:$0xB0];
	_ =	sdelay $0x4  }
0x8f: {  	v59 =	vshll.u32 v3, $0x1  }
0x90: {  	v3 =	vand.u32 $0x7, v3;
	v4 =	vand.u32 $0xFFFFFFF0, v59  }
0x91: {  	v3 =	vor.u32 v3, v4  }
0x92: {  	v4 =	vperm.xlane v3, v0;
	_ =	sdelay $0x1  }
0x93: {  	v3 =	vperm.xlane v3, v2;
	v4 =	vadd.s32 v1, v4;
	_ =	sdelay $0x1  }
0x94: {  	v3 =	vadd.s32 v1, v3;
	_ =	sdelay $0x2  }
0x95: {  	[tilespmem:s21], [sflag:$0x1] =	stream.indirect_vreg.gather [hbm4b:s1+s3], $0x80, v4, vm0, $0xb8;
	[tilespmem:$0x10100] =	vst v63  }
0x96: {  	_ = 	snop  }
0x97: {  	[tilespmem:s22], [sflag:$0x1] =	stream.indirect_vreg.gather [hbm4b:s1+s3], $0x80, v3, vm0, $0xb8;
	[tilespmem:$0x10100] =	vst v63  }
0x98: {  	v3 =	vld [tilespmem:$0xC0];
	_ =	sdelay $0x4  }
0x99: {  	v60 =	vshll.u32 v3, $0x1  }
0x9a: {  	v3 =	vand.u32 $0x7, v3;
	v4 =	vand.u32 $0xFFFFFFF0, v60  }
0x9b: {  	v3 =	vor.u32 v3, v4  }
0x9c: {  	v4 =	vperm.xlane v3, v0;
	_ =	sdelay $0x1  }
0x9d: {  	v3 =	vperm.xlane v3, v2;
	v4 =	vadd.s32 v1, v4;
	_ =	sdelay $0x1  }
0x9e: {  	v3 =	vadd.s32 v1, v3;
	_ =	sdelay $0x2  }
0x9f: {  	[tilespmem:s23], [sflag:$0x1] =	stream.indirect_vreg.gather [hbm4b:s1+s3], $0x80, v4, vm0, $0xb8;
	[tilespmem:$0x10100] =	vst v63  }
0xa0: {  	_ = 	snop  }
0xa1: {  	[tilespmem:s24], [sflag:$0x1] =	stream.indirect_vreg.gather [hbm4b:s1+s3], $0x80, v3, vm0, $0xb8;
	[tilespmem:$0x10100] =	vst v63  }
0xa2: {  	v3 =	vld [tilespmem:$0xD0];
	_ =	sdelay $0x4  }
0xa3: {  	v61 =	vshll.u32 v3, $0x1  }
0xa4: {  	v3 =	vand.u32 $0x7, v3;
	v4 =	vand.u32 $0xFFFFFFF0, v61  }
0xa5: {  	v3 =	vor.u32 v3, v4  }
0xa6: {  	v4 =	vperm.xlane v3, v0;
	_ =	sdelay $0x1  }
0xa7: {  	v3 =	vperm.xlane v3, v2;
	v4 =	vadd.s32 v1, v4;
	_ =	sdelay $0x1  }
0xa8: {  	v3 =	vadd.s32 v1, v3;
	_ =	sdelay $0x2  }
0xa9: {  	[tilespmem:s25], [sflag:$0x1] =	stream.indirect_vreg.gather [hbm4b:s1+s3], $0x80, v4, vm0, $0xb8;
	[tilespmem:$0x10100] =	vst v63  }
0xaa: {  	_ = 	snop  }
0xab: {  	[tilespmem:s26], [sflag:$0x1] =	stream.indirect_vreg.gather [hbm4b:s1+s3], $0x80, v3, vm0, $0xb8;
	[tilespmem:$0x10100] =	vst v63  }
0xac: {  	v3 =	vld [tilespmem:$0xE0];
	_ =	sdelay $0x4  }
0xad: {  	v62 =	vshll.u32 v3, $0x1  }
0xae: {  	v3 =	vand.u32 $0x7, v3;
	v4 =	vand.u32 $0xFFFFFFF0, v62  }
0xaf: {  	v3 =	vor.u32 v3, v4  }
0xb0: {  	v4 =	vperm.xlane v3, v0;
	_ =	sdelay $0x1  }
0xb1: {  	v3 =	vperm.xlane v3, v2;
	v4 =	vadd.s32 v1, v4;
	_ =	sdelay $0x1  }
0xb2: {  	v3 =	vadd.s32 v1, v3;
	_ =	sdelay $0x2  }
0xb3: {  	[tilespmem:s28], [sflag:$0x1] =	stream.indirect_vreg.gather [hbm4b:s1+s3], $0x80, v4, vm0, $0xb8;
	[tilespmem:$0x10100] =	vst v63  }
0xb4: {  	_ = 	snop  }
0xb5: {  	[tilespmem:s29], [sflag:$0x1] =	stream.indirect_vreg.gather [hbm4b:s1+s3], $0x80, v3, vm0, $0xb8;
	[tilespmem:$0x10100] =	vst v63  }
0xb6: {  	v3 =	vld [tilespmem:$0xF0];
	_ =	sdelay $0x4  }
0xb7: {  	v63 =	vshll.u32 v3, $0x1  }
0xb8: {  	v3 =	vand.u32 $0x7, v3;
	v4 =	vand.u32 $0xFFFFFFF0, v63  }
0xb9: {  	v3 =	vor.u32 v3, v4  }
0xba: {  	v4 =	vperm.xlane v3, v0;
	_ =	sdelay $0x1  }
0xbb: {  	v3 =	vperm.xlane v3, v2;
	v4 =	vadd.s32 v1, v4;
	_ =	sdelay $0x1  }
0xbc: {  	v3 =	vadd.s32 v1, v3;
	_ =	sdelay $0x2  }
0xbd: {  	[tilespmem:s30], [sflag:$0x1] =	stream.indirect_vreg.gather [hbm4b:s1+s3], $0x80, v4, vm0, $0xb8;
	[tilespmem:$0x10100] =	vst v63  }
0xbe: {  	_ = 	snop  }
0xbf: {  	[tilespmem:s31], [sflag:$0x1] =	stream.indirect_vreg.gather [hbm4b:s1+s3], $0x80, v3, vm0, $0xb8;
	[tilespmem:$0x10100] =	vst v63  }
0xc0: {  	_ =	swait.ge [sflag:s2], $0x10000  }
0xc1: {  	p0 =	sne.s32 s4, $0x1;
	[sflag:s2] =	ssyncset.done $0x0  }
.Ltmp0:
0xc2: {  	s7 =	rddreg [dreg:$0x5];
	[sflag:s2] =	ssyncadd.s32 $0xFFFF0000;
	(pc) =	sbr.rel @p0 .LBB2_1-.Ltmp0, $4  }
0xc3: {  	[hbm4b:s7+s3] =	stream.linear.scatter [tilespmem:s6], [sflag:$0x2], $0x10000, $0x38;
	[tilespmem:$0x10100] =	vst v63  }
0xc4: {  	_ =	swait.ge [sflag:s5], $0x10000  }
0xc5: {  	[sflag:s5] =	ssyncset.done $0x0  }
0xc6: {  	s4 =	sadd.s32 $0xFFFFFFFF, s4;
	[sflag:s5] =	ssyncadd.s32 $0xFFFF0000  }
0xc7: {  	_ =	sfence.sel $0x180000  }
0xc8: {  	[bflag:$0x0] =	sbarrier.arrive $0xFFFF  }
0xc9: {  	_ =	strace $0x90000047  }
0xca: {  	s0 =	stileid.u32;
	[bflag:$0x2] =	sbarrier.arrive $0xFFFF  }
0xcb: {  	p0 =	sne.s32 s0, $0x0;
	s0 =	rddreg [dreg:$0x3]  }
0xcc: {  	s0 =	sadd.s32 @!p0 $0x100000, s0  }
0xcd: {  	[sflag:s0] =	ssyncadd.tile.s32 @!p0 $0x1;
	_ =	shalt  }
.Lfunc_end2:
_tile_overlayer_lowered:
.L_overlay_start_2:
0xce: {  	(tag) =	ssettag $0x2  }
0xcf: {  	s0 =	rddreg [dreg:$0x0];
	s2 =	stileid.u32  }
0xd0: {  	s1 =	rddreg [dreg:$0x1];
	p0 =	sne.s32 s2, $0x0  }
0xd1: {  	s3 =	rddreg [dreg:$0x2];
	[bflag:$0x3] =	sbarrier.arrive $0xFFFF;
	s2 =	simm.s32 @!p0 $0x1C02  }
0xd2: {  	[timem:s3], [sflag:s2] =	dma.local @!p0 [hbm:s0], s1  }
0xd3: {  	s0 =	simm.s32 @!p0 $0x2  }
0xd4: {  	_ =	swait.ge @!p0 [sflag:s0], s1  }
0xd5: {  	s1 =	ssub.s32 @!p0 $0x0, s1;
	[sflag:s0] =	ssyncset.done @!p0 $0x0  }
0xd6: {  	[sflag:s0] =	ssyncadd.s32 @!p0 s1  }
0xd7: {  	[bflag:$0x3] =	sbarrier.arrive $0xFFFF  }
0xd8: {  	_ =	shalt  }

</sc_bundles>
